<compile_context>
chip_gen: v7x
topology: tpu7x:2x2x1
jax: 0.10.2.dev20260603
libtpu: 0.0.44.dev20260713+nightly
codegen_flags: <defaults>
</compile_context>

<pallas_src>
import jax
import jax.numpy as jnp
from jax import lax
from jax.experimental import pallas as pl
from jax.experimental.pallas import tpu as pltpu
from jax.experimental.pallas import tpu_sc as plsc

N = 10000
E = 320000
C = 8
D = 16
ROW = C * D

NC = 2
NS = 16
NW = NC * NS
EDGES_PER_W = E // NW
CHUNK = 40
NCHUNK = EDGES_PER_W // CHUNK
ZROWS = 8
NZCH = N // ZROWS


def _vfull(c):
    return jnp.full((16,), c, dtype=jnp.float32)


def _rsqrt16(x):
    i = lax.bitcast_convert_type(x, jnp.int32)
    i = jnp.int32(0x5F3759DF) - (i >> 1)
    y = lax.bitcast_convert_type(i, jnp.float32)
    for _ in range(3):
        y = y * (_vfull(1.5) - _vfull(0.5) * x * y * y)
    return y


def _arccos_over_sin(ip):
    a = jnp.abs(ip)
    pa = _vfull(-0.0012624911)
    for c in (0.0066700901, -0.0170881256, 0.0308918810,
              -0.0501743046, 0.0889789874, -0.2145988016, 1.5707963050):
        pa = pa * a + _vfull(c)
    rp = _rsqrt16(_vfull(1.0) + a)
    rm = _rsqrt16(_vfull(1.0) - a)
    neg = ip < _vfull(0.0)
    c1 = jnp.where(neg, _vfull(3.14159265358979) * rm, _vfull(0.0))
    c2 = jnp.where(neg, _vfull(-1.0), _vfull(1.0))
    return (c1 + c2 * pa) * rp


def _sc_edge_body(x2, eidx2, out, A,
                  ib0, ib1, ds0, ds1, q0, q1, p0, p1, l0, l1, zbuf,
                  gsem0, gsem1, isem0, isem1, asem0, asem1):
    cid = lax.axis_index("c")
    sid = lax.axis_index("s")
    wid = sid * NC + cid

    lane = lax.iota(jnp.int32, 16)
    rofs = lane >> 3
    cbase = (lane & 7) * 16

    zv = _vfull(0.0)

    def _zero_row(i, _):
        for j in range(ROW // 16):
            zbuf[i, pl.ds(j * 16, 16)] = zv
        return 0

    lax.fori_loop(0, ZROWS, _zero_row, 0)

    def _zero_chunk(k, _):
        cidx = sid + k * NS

        @pl.when(cidx < NZCH)
        def _():
            pltpu.sync_copy(zbuf, A.at[pl.ds(cidx * ZROWS, ZROWS)])

        return 0

    lax.fori_loop(0, (NZCH + NS - 1) // NS, _zero_chunk, 0)
    plsc.subcore_barrier()

    cbase0 = wid * NCHUNK

    def _compute(qr, pr_, lr):
        def _pair(pr, _):
            r = pr * 2 + rofs
            acc = [_vfull(0.0) for _ in range(4)]
            pvs = []
            qvs = []
            for d in range(D):
                col = cbase + d
                pv = plsc.load_gather(pr_, [r, col])
                qv = plsc.load_gather(qr, [r, col])
                pvs.append(pv)
                qvs.append(qv)
                acc[d & 3] = acc[d & 3] + pv * qv
            ip = (acc[0] + acc[1]) + (acc[2] + acc[3])
            ip = jnp.minimum(jnp.maximum(ip, _vfull(-1.0 + 1e-7)),
                             _vfull(1.0 - 1e-7))
            f = _arccos_over_sin(ip)
            g = f * ip
            for d in range(D):
                plsc.store_scatter(lr, [r, cbase + d],
                                   f * qvs[d] - g * pvs[d])
            return 0

        lax.fori_loop(0, CHUNK // 2, _pair, 0)

    pltpu.sync_copy(eidx2.at[cbase0], ib0)
    pltpu.async_copy(x2.at[ib0.at[0]], q0, gsem0)
    pltpu.async_copy(x2.at[ib0.at[1]], p0, gsem0)
    pltpu.async_copy(eidx2.at[cbase0 + 1], ib1, isem1)

    def _outer(jj, _):
        for b in range(2):
            j = jj * 2 + b
            ib_p, ds_p, q_p, p_p, l_p = (ib0, ds0, q0, p0, l0) if b == 0 \
                else (ib1, ds1, q1, p1, l1)
            ib_n, q_n, p_n = (ib1, q1, p1) if b == 0 else (ib0, q0, p0)
            gsem_p, isem_p, asem_p = (gsem0, isem0, asem0) if b == 0 \
                else (gsem1, isem1, asem1)
            gsem_n, isem_n = (gsem1, isem1) if b == 0 else (gsem0, isem0)

            @pl.when(j >= 2)
            def _():
                pltpu.make_async_copy(l_p, A.at[ds_p], asem_p).wait()

            @pl.when(j <= NCHUNK - 2)
            def _():
                pltpu.make_async_copy(eidx2.at[0], ib_n, isem_n).wait()
                pltpu.async_copy(x2.at[ib_n.at[0]], q_n, gsem_n)
                pltpu.async_copy(x2.at[ib_n.at[1]], p_n, gsem_n)

            pltpu.make_async_copy(x2.at[pl.ds(0, CHUNK)], q_p, gsem_p).wait()
            pltpu.make_async_copy(x2.at[pl.ds(0, CHUNK)], p_p, gsem_p).wait()
            for off in (0, 16, CHUNK - 16):
                ds_p[pl.ds(off, 16)] = ib_p[1, pl.ds(off, 16)]

            @pl.when(j <= NCHUNK - 3)
            def _():
                pltpu.async_copy(eidx2.at[cbase0 + j + 2], ib_p, isem_p)

            _compute(q_p, p_p, l_p)
            pltpu.async_copy(l_p, A.at[ds_p], asem_p, add=True)
        return 0

    lax.fori_loop(0, NCHUNK // 2, _outer, 0)
    pltpu.make_async_copy(l0, A.at[ds0], asem0).wait()
    pltpu.make_async_copy(l1, A.at[ds1], asem1).wait()
    plsc.subcore_barrier()

    def _dump(k, _):
        cidx = sid + k * NS

        @pl.when(cidx < NZCH)
        def _():
            base = cidx * ZROWS
            pltpu.sync_copy(A.at[pl.ds(base, ZROWS)], zbuf)
            pltpu.sync_copy(zbuf, out.at[cid, pl.ds(base, ZROWS)])

        return 0

    lax.fori_loop(0, (NZCH + NS - 1) // NS, _dump, 0)


@jax.jit
def _sc_edge(x2, eidx2):
    mesh = plsc.VectorSubcoreMesh(core_axis_name="c", subcore_axis_name="s")
    return pl.kernel(
        _sc_edge_body,
        out_type=jax.ShapeDtypeStruct((NC, N, ROW), jnp.float32),
        mesh=mesh,
        compiler_params=pltpu.CompilerParams(needs_layout_passes=False),
        scratch_types=[
            pltpu.VMEM_SHARED((N, ROW), jnp.float32),
            pltpu.VMEM((2, CHUNK), jnp.int32),
            pltpu.VMEM((2, CHUNK), jnp.int32),
            pltpu.VMEM((CHUNK,), jnp.int32),
            pltpu.VMEM((CHUNK,), jnp.int32),
            pltpu.VMEM((CHUNK, ROW), jnp.float32),
            pltpu.VMEM((CHUNK, ROW), jnp.float32),
            pltpu.VMEM((CHUNK, ROW), jnp.float32),
            pltpu.VMEM((CHUNK, ROW), jnp.float32),
            pltpu.VMEM((CHUNK, ROW), jnp.float32),
            pltpu.VMEM((CHUNK, ROW), jnp.float32),
            pltpu.VMEM((ZROWS, ROW), jnp.float32),
            pltpu.SemaphoreType.DMA,
            pltpu.SemaphoreType.DMA,
            pltpu.SemaphoreType.DMA,
            pltpu.SemaphoreType.DMA,
            pltpu.SemaphoreType.DMA,
            pltpu.SemaphoreType.DMA,
        ],
    )(x2, eidx2)


def _tc_node_body(x2, part, tb, db, bm, out):
    X = x2[...]
    Bm = bm[...]
    v = -(part[0] + part[1])
    nrm2 = jnp.dot(v * v, Bm, preferred_element_type=jnp.float32,
                   precision=jax.lax.Precision.HIGHEST)
    nrm = jnp.sqrt(nrm2 + 1e-8)
    act = jax.nn.sigmoid(nrm - db[...])
    gate = (nrm * act >= 0.001).astype(jnp.float32)
    v2 = -(act * gate * tb[...]) * v
    nv2 = jnp.dot(v2 * v2, Bm, preferred_element_type=jnp.float32,
                  precision=jax.lax.Precision.HIGHEST)
    nv = jnp.sqrt(nv2)
    sl = jnp.where(nv < 1e-6, 1.0, jnp.sin(nv) / jnp.maximum(nv, 1e-30))
    o = jnp.cos(nv) * X + sl * v2
    on2 = jnp.dot(o * o, Bm, preferred_element_type=jnp.float32,
                  precision=jax.lax.Precision.HIGHEST)
    out[...] = o / (jnp.sqrt(on2) + 1e-12)


@jax.jit
def _tc_node(x2, part, tb, db, bm):
    nb = 400
    grid = N // nb
    return pl.pallas_call(
        _tc_node_body,
        grid=(grid,),
        in_specs=[
            pl.BlockSpec((nb, ROW), lambda i: (i, 0)),
            pl.BlockSpec((NC, nb, ROW), lambda i: (0, i, 0)),
            pl.BlockSpec((1, ROW), lambda i: (0, 0)),
            pl.BlockSpec((1, ROW), lambda i: (0, 0)),
            pl.BlockSpec((ROW, ROW), lambda i: (0, 0)),
        ],
        out_specs=pl.BlockSpec((nb, ROW), lambda i: (i, 0)),
        out_shape=jax.ShapeDtypeStruct((N, ROW), jnp.float32),
    )(x2, part, tb, db, bm)


def kernel(x, edge_index, t_sqrt, delta_sqrt):
    x2 = x.reshape(N, ROW)
    eidx2 = jnp.stack([edge_index[0].reshape(-1, CHUNK),
                       edge_index[1].reshape(-1, CHUNK)], axis=1)
    part = _sc_edge(x2, eidx2)
    tb = jnp.repeat(t_sqrt.astype(jnp.float32) ** 2, D)[None, :]
    db = jnp.repeat(delta_sqrt.astype(jnp.float32) ** 2, D)[None, :]
    bm = jnp.kron(jnp.eye(C, dtype=jnp.float32),
                  jnp.ones((D, D), dtype=jnp.float32))
    out = _tc_node(x2, part, tb, db, bm)
    return out.reshape(N, C, D)

# --- scband reference (transcript-rebuilt; emitter-appended) ---
"""Pipeline reference for scband-flow-layer-55396488183997 (READ-ONLY COPY).

The authoritative reference and input builder live on the scoring server;
editing this copy changes nothing except your own understanding.
"""

import jax, jax.numpy as jnp
import numpy as np

N = 10000
E = 320000
C = 8
D = 16
N_STEPS = 1


def _sph_log(p, q):
    # log map on unit hypersphere S^{D-1}: tangent vector at p pointing to q
    ip = jnp.clip(jnp.sum(p * q, axis=-1, keepdims=True), -1.0 + 1e-7, 1.0 - 1e-7)
    theta = jnp.arccos(ip)
    u = q - ip * p
    un = jnp.linalg.norm(u, axis=-1, keepdims=True)
    return theta * u / (un + 1e-12)


def _sph_exp(p, v):
    # exp map on unit hypersphere; sinc handles |v| -> 0 smoothly
    nv = jnp.linalg.norm(v, axis=-1, keepdims=True)
    out = jnp.cos(nv) * p + jnp.sinc(nv / jnp.pi) * v
    return out / (jnp.linalg.norm(out, axis=-1, keepdims=True) + 1e-12)


def setup_inputs(seed: int = 0) -> dict:
    key = jax.random.key(seed)
    k1, k2, k3, k4 = jax.random.split(key, 4)
    x = jax.random.normal(k1, (N, C, D), dtype=jnp.float32)
    x = x / (jnp.linalg.norm(x, axis=-1, keepdims=True) + 1e-12)  # project to sphere
    edge_index = jax.random.randint(k2, (2, E), 0, N, dtype=jnp.int32)
    # learned parameters: TruncatedNormal(mean=1, stddev=1), shape [width=C]
    t_sqrt = 1.0 + jax.random.truncated_normal(k3, -2.0, 2.0, (C,), dtype=jnp.float32)
    delta_sqrt = 1.0 + jax.random.truncated_normal(k4, -2.0, 2.0, (C,), dtype=jnp.float32)
    return {"x": x, "edge_index": edge_index, "t_sqrt": t_sqrt, "delta_sqrt": delta_sqrt}


def reference(x, edge_index, t_sqrt, delta_sqrt):
    src = edge_index[0]
    dst = edge_index[1]
    t = t_sqrt ** 2
    delta = delta_sqrt ** 2

    def _p_laplace(Xc):
        # graph (2-)Laplacian of one channel of manifold-valued features
        logs = _sph_log(Xc[dst], Xc[src])            # gather + log map per edge
        return -jax.ops.segment_sum(logs, dst, num_segments=N)  # scatter-add

    def _euler_step(X, _):
        v = jax.vmap(_p_laplace, in_axes=1, out_axes=1)(X)        # [N, C, D]
        nrm = jnp.sqrt(jnp.sum(v * v, axis=-1) + 1e-8)             # metric.inner(x, v, v)
        act = jax.nn.sigmoid(nrm - delta[None, :])
        gate = (nrm * act >= 0.001).astype(X.dtype)                # lax.cond branch as mask
        v = (act * gate)[..., None] * v
        v = -v * (t / N_STEPS)[None, :, None]
        Xn = _sph_exp(X, v)
        return Xn, None

    X, _ = jax.lax.scan(_euler_step, x, None, length=N_STEPS, unroll=N_STEPS)
    return X

if __name__ == "__main__":
    import jax
    _d = setup_inputs()
    print(jax.jit(kernel)(*tuple(_d.values())))

</pallas_src>

<mosaic_0001>
#map = affine_map<(d0, d1) -> (0, 0)>
#map1 = affine_map<(d0, d1) -> (0, 0, 0)>
module attributes {stable_mosaic.version = 14 : i64} {
  func.func @_sc_edge_body(%arg0: i32, %arg1: i32, %arg2: memref<10000x128xf32, #tpu.memory_space<hbm>>, %arg3: memref<8000x2x40xi32, #tpu.memory_space<hbm>>, %arg4: memref<2x10000x128xf32, #tpu.memory_space<hbm>>, %arg5: memref<10000x128xf32, #tpu.memory_space<vmem_shared>>, %arg6: memref<2x40xi32, #tpu.memory_space<vmem>>, %arg7: memref<2x40xi32, #tpu.memory_space<vmem>>, %arg8: memref<40xi32, #tpu.memory_space<vmem>>, %arg9: memref<40xi32, #tpu.memory_space<vmem>>, %arg10: memref<40x128xf32, #tpu.memory_space<vmem>>, %arg11: memref<40x128xf32, #tpu.memory_space<vmem>>, %arg12: memref<40x128xf32, #tpu.memory_space<vmem>>, %arg13: memref<40x128xf32, #tpu.memory_space<vmem>>, %arg14: memref<40x128xf32, #tpu.memory_space<vmem>>, %arg15: memref<40x128xf32, #tpu.memory_space<vmem>>, %arg16: memref<8x128xf32, #tpu.memory_space<vmem>>, %arg17: memref<!tpu.dma_semaphore, #tpu.memory_space<semaphore_mem>>, %arg18: memref<!tpu.dma_semaphore, #tpu.memory_space<semaphore_mem>>, %arg19: memref<!tpu.dma_semaphore, #tpu.memory_space<semaphore_mem>>, %arg20: memref<!tpu.dma_semaphore, #tpu.memory_space<semaphore_mem>>, %arg21: memref<!tpu.dma_semaphore, #tpu.memory_space<semaphore_mem>>, %arg22: memref<!tpu.dma_semaphore, #tpu.memory_space<semaphore_mem>>) attributes {dimension_semantics = [#tpu.dimension_semantics<core_parallel>, #tpu.dimension_semantics<subcore_parallel>], iteration_bounds = array<i64: 2, 16>, scalar_prefetch = 0 : i64, scratch_operands = 18 : i64, tpu.core_type = #tpu.core_type<sc_vector_subcore>, window_params = [{transform_indices = #map}, {transform_indices = #map1}, {transform_indices = #map1}]} {
    %mul3A = arith.constant 2 : i32
    %mul3A_0 = arith.muli %arg1, %mul3A : i32
    %add3A = arith.addi %mul3A_0, %arg0 : i32
    %iota3A = tpu.iota {dimensions = array<i32: 0>} : vector<16xi32>
    %shift_right_arithmetic3A = arith.constant 3 : i32
    %shift_right_arithmetic3A_1 = vector.broadcast %shift_right_arithmetic3A : i32 to vector<16xi32>
    %shift_right_arithmetic3A_2 = arith.shrsi %iota3A, %shift_right_arithmetic3A_1 : vector<16xi32>
    %and3A = arith.constant 7 : i32
    %and3A_3 = vector.broadcast %and3A : i32 to vector<16xi32>
    %and3A_4 = arith.andi %iota3A, %and3A_3 : vector<16xi32>
    %mul3A_5 = arith.constant 16 : i32
    %mul3A_6 = vector.broadcast %mul3A_5 : i32 to vector<16xi32>
    %mul3A_7 = arith.muli %and3A_4, %mul3A_6 : vector<16xi32>
    %broadcast_in_dim3A = arith.constant 0.000000e+00 : f32
    %broadcast_in_dim3A_8 = vector.broadcast %broadcast_in_dim3A : f32 to vector<16xf32>
    %scan3A = arith.constant 0 : i32
    %scan3A_9 = arith.constant 0 : i32
    %scan3A_10 = arith.constant 8 : i32
    %scan3A_11 = arith.addi %scan3A_9, %scan3A_10 : i32
    %scan3A_12 = arith.constant 1 : i32
    %scan3A_13 = scf.for %scan3A_67 = %scan3A_9 to %scan3A_11 step %scan3A_12 iter_args(%scan3A_68 = %scan3A) -> (i32)  : i32 {
      %swap3A = arith.index_cast %scan3A_67 : i32 to index
      %swap3A_69 = arith.constant 0 : index
      %swap3A_70 = tpu.vector_load %arg16[%swap3A, %swap3A_69] {strides = array<i32>} : memref<8x128xf32, #tpu.memory_space<vmem>>, vector<16xf32>,
      tpu.vector_store %arg16[%swap3A, %swap3A_69], %broadcast_in_dim3A_8 {strides = array<i32>} : memref<8x128xf32, #tpu.memory_space<vmem>>, vector<16xf32>,
      %swap3A_71 = arith.index_cast %scan3A_67 : i32 to index
      %swap3A_72 = arith.constant 16 : index
      %swap3A_73 = tpu.vector_load %arg16[%swap3A_71, %swap3A_72] {strides = array<i32>} : memref<8x128xf32, #tpu.memory_space<vmem>>, vector<16xf32>,
      tpu.vector_store %arg16[%swap3A_71, %swap3A_72], %broadcast_in_dim3A_8 {strides = array<i32>} : memref<8x128xf32, #tpu.memory_space<vmem>>, vector<16xf32>,
      %swap3A_74 = arith.index_cast %scan3A_67 : i32 to index
      %swap3A_75 = arith.constant 32 : index
      %swap3A_76 = tpu.vector_load %arg16[%swap3A_74, %swap3A_75] {strides = array<i32>} : memref<8x128xf32, #tpu.memory_space<vmem>>, vector<16xf32>,
      tpu.vector_store %arg16[%swap3A_74, %swap3A_75], %broadcast_in_dim3A_8 {strides = array<i32>} : memref<8x128xf32, #tpu.memory_space<vmem>>, vector<16xf32>,
      %swap3A_77 = arith.index_cast %scan3A_67 : i32 to index
      %swap3A_78 = arith.constant 48 : index
      %swap3A_79 = tpu.vector_load %arg16[%swap3A_77, %swap3A_78] {strides = array<i32>} : memref<8x128xf32, #tpu.memory_space<vmem>>, vector<16xf32>,
      tpu.vector_store %arg16[%swap3A_77, %swap3A_78], %broadcast_in_dim3A_8 {strides = array<i32>} : memref<8x128xf32, #tpu.memory_space<vmem>>, vector<16xf32>,
      %swap3A_80 = arith.index_cast %scan3A_67 : i32 to index
      %swap3A_81 = arith.constant 64 : index
      %swap3A_82 = tpu.vector_load %arg16[%swap3A_80, %swap3A_81] {strides = array<i32>} : memref<8x128xf32, #tpu.memory_space<vmem>>, vector<16xf32>,
      tpu.vector_store %arg16[%swap3A_80, %swap3A_81], %broadcast_in_dim3A_8 {strides = array<i32>} : memref<8x128xf32, #tpu.memory_space<vmem>>, vector<16xf32>,
      %swap3A_83 = arith.index_cast %scan3A_67 : i32 to index
      %swap3A_84 = arith.constant 80 : index
      %swap3A_85 = tpu.vector_load %arg16[%swap3A_83, %swap3A_84] {strides = array<i32>} : memref<8x128xf32, #tpu.memory_space<vmem>>, vector<16xf32>,
      tpu.vector_store %arg16[%swap3A_83, %swap3A_84], %broadcast_in_dim3A_8 {strides = array<i32>} : memref<8x128xf32, #tpu.memory_space<vmem>>, vector<16xf32>,
      %swap3A_86 = arith.index_cast %scan3A_67 : i32 to index
      %swap3A_87 = arith.constant 96 : index
      %swap3A_88 = tpu.vector_load %arg16[%swap3A_86, %swap3A_87] {strides = array<i32>} : memref<8x128xf32, #tpu.memory_space<vmem>>, vector<16xf32>,
      tpu.vector_store %arg16[%swap3A_86, %swap3A_87], %broadcast_in_dim3A_8 {strides = array<i32>} : memref<8x128xf32, #tpu.memory_space<vmem>>, vector<16xf32>,
      %swap3A_89 = arith.index_cast %scan3A_67 : i32 to index
      %swap3A_90 = arith.constant 112 : index
      %swap3A_91 = tpu.vector_load %arg16[%swap3A_89, %swap3A_90] {strides = array<i32>} : memref<8x128xf32, #tpu.memory_space<vmem>>, vector<16xf32>,
      tpu.vector_store %arg16[%swap3A_89, %swap3A_90], %broadcast_in_dim3A_8 {strides = array<i32>} : memref<8x128xf32, #tpu.memory_space<vmem>>, vector<16xf32>,
      %scan3A_92 = arith.constant 0 : i32
      scf.yield %scan3A_92 : i32
    }
    %scan3A_14 = arith.constant 8 : i32
    %scan3A_15 = arith.constant 0 : i32
    %scan3A_16 = arith.constant 0 : i32
    %scan3A_17 = arith.constant 79 : i32
    %scan3A_18 = arith.addi %scan3A_16, %scan3A_17 : i32
    %scan3A_19 = arith.constant 1 : i32
    %scan3A_20 = scf.for %scan3A_67 = %scan3A_16 to %scan3A_18 step %scan3A_19 iter_args(%scan3A_68 = %scan3A_15) -> (i32)  : i32 {
      %mul3A_69 = arith.constant 16 : i32
      %mul3A_70 = arith.muli %scan3A_67, %mul3A_69 : i32
      %add3A_71 = arith.addi %arg1, %mul3A_70 : i32
      %lt3A = arith.constant 1250 : i32
      %lt3A_72 = arith.cmpi slt, %add3A_71, %lt3A : i32
      %convert_element_type3A = arith.extui %lt3A_72 : i1 to i32
      %cond3A = arith.constant 0 : i32
      %cond3A_73 = arith.cmpi ne, %convert_element_type3A, %cond3A : i32
      scf.if %cond3A_73 {
        %mul3A_75 = arith.constant 8 : i32
        %mul3A_76 = arith.muli %add3A_71, %mul3A_75 : i32
        "tpu.region"() ({
          %run_scoped3A = tpu.sem_alloc : memref<!tpu.dma_semaphore, #tpu.memory_space<semaphore_mem>>
          %dma_start3A_77 = arith.constant 0 : i32
          %dma_start3A_78 = tpu.memref_slice %arg5[%mul3A_76, %dma_start3A_77] : memref<10000x128xf32, #tpu.memory_space<vmem_shared>> -> memref<8x128xf32, #tpu.memory_space<vmem_shared>>
          %dma_start3A_79 = arith.constant 0 : i32
          %dma_start3A_80 = tpu.memref_slice %arg5[%mul3A_76, %dma_start3A_79] : memref<10000x128xf32, #tpu.memory_space<vmem_shared>> -> memref<8x128xf32, #tpu.memory_space<vmem_shared>>
          tpu.enqueue_dma source(%arg16 : memref<8x128xf32, #tpu.memory_space<vmem>>) target(%dma_start3A_80 : memref<8x128xf32, #tpu.memory_space<vmem_shared>>) target_semaphore(%run_scoped3A : memref<!tpu.dma_semaphore, #tpu.memory_space<semaphore_mem>>)
          %dma_wait3A_81 = arith.constant 0 : i32
          %dma_wait3A_82 = tpu.memref_slice %arg5[%mul3A_76, %dma_wait3A_81] : memref<10000x128xf32, #tpu.memory_space<vmem_shared>> -> memref<8x128xf32, #tpu.memory_space<vmem_shared>>
          %dma_wait3A_83 = arith.constant 0 : i32
          %dma_wait3A_84 = tpu.memref_slice %arg5[%mul3A_76, %dma_wait3A_83] : memref<10000x128xf32, #tpu.memory_space<vmem_shared>> -> memref<8x128xf32, #tpu.memory_space<vmem_shared>>
          tpu.wait_dma2 semaphore(%run_scoped3A : memref<!tpu.dma_semaphore, #tpu.memory_space<semaphore_mem>>) src(%arg16 : memref<8x128xf32, #tpu.memory_space<vmem>>) dst(%dma_wait3A_84 : memref<8x128xf32, #tpu.memory_space<vmem_shared>>)
          tpu.yield
        }) : () -> ()
      } else {
      }
      %scan3A_74 = arith.constant 0 : i32
      scf.yield %scan3A_74 : i32
    }
    %scan3A_21 = arith.constant 79 : i32
    %barrier3A = arith.constant 0 : index
    tpu.barrier barrier_id(%barrier3A)
    %mul3A_22 = arith.constant 250 : i32
    %mul3A_23 = arith.muli %add3A, %mul3A_22 : i32
    "tpu.region"() ({
      %run_scoped3A = tpu.sem_alloc : memref<!tpu.dma_semaphore, #tpu.memory_space<semaphore_mem>>
      %dma_start3A_67 = arith.constant 0 : i32
      %dma_start3A_68 = arith.constant 0 : i32
      %dma_start3A_69 = tpu.memref_slice %arg3[%mul3A_23, %dma_start3A_67, %dma_start3A_68] : memref<8000x2x40xi32, #tpu.memory_space<hbm>> -> memref<1x2x40xi32, #tpu.memory_space<hbm>>
      %dma_start3A_70 = tpu.memref_squeeze %dma_start3A_69 : memref<1x2x40xi32, #tpu.memory_space<hbm>> -> memref<2x40xi32, #tpu.memory_space<hbm>>
      %dma_start3A_71 = arith.constant 0 : i32
      %dma_start3A_72 = arith.constant 0 : i32
      %dma_start3A_73 = tpu.memref_slice %arg3[%mul3A_23, %dma_start3A_71, %dma_start3A_72] : memref<8000x2x40xi32, #tpu.memory_space<hbm>> -> memref<1x2x40xi32, #tpu.memory_space<hbm>>
      %dma_start3A_74 = tpu.memref_squeeze %dma_start3A_73 : memref<1x2x40xi32, #tpu.memory_space<hbm>> -> memref<2x40xi32, #tpu.memory_space<hbm>>
      tpu.enqueue_dma source(%dma_start3A_74 : memref<2x40xi32, #tpu.memory_space<hbm>>) target(%arg6 : memref<2x40xi32, #tpu.memory_space<vmem>>) target_semaphore(%run_scoped3A : memref<!tpu.dma_semaphore, #tpu.memory_space<semaphore_mem>>)
      %dma_wait3A_75 = arith.constant 0 : i32
      %dma_wait3A_76 = arith.constant 0 : i32
      %dma_wait3A_77 = tpu.memref_slice %arg3[%mul3A_23, %dma_wait3A_75, %dma_wait3A_76] : memref<8000x2x40xi32, #tpu.memory_space<hbm>> -> memref<1x2x40xi32, #tpu.memory_space<hbm>>
      %dma_wait3A_78 = tpu.memref_squeeze %dma_wait3A_77 : memref<1x2x40xi32, #tpu.memory_space<hbm>> -> memref<2x40xi32, #tpu.memory_space<hbm>>
      %dma_wait3A_79 = arith.constant 0 : i32
      %dma_wait3A_80 = arith.constant 0 : i32
      %dma_wait3A_81 = tpu.memref_slice %arg3[%mul3A_23, %dma_wait3A_79, %dma_wait3A_80] : memref<8000x2x40xi32, #tpu.memory_space<hbm>> -> memref<1x2x40xi32, #tpu.memory_space<hbm>>
      %dma_wait3A_82 = tpu.memref_squeeze %dma_wait3A_81 : memref<1x2x40xi32, #tpu.memory_space<hbm>> -> memref<2x40xi32, #tpu.memory_space<hbm>>
      tpu.wait_dma2 semaphore(%run_scoped3A : memref<!tpu.dma_semaphore, #tpu.memory_space<semaphore_mem>>) src(%dma_wait3A_82 : memref<2x40xi32, #tpu.memory_space<hbm>>) dst(%arg6 : memref<2x40xi32, #tpu.memory_space<vmem>>)
      tpu.yield
    }) : () -> ()
    %dma_start3A = arith.constant 0 : i32
    %dma_start3A_24 = arith.constant 0 : i32
    %dma_start3A_25 = tpu.memref_slice %arg6[%dma_start3A, %dma_start3A_24] : memref<2x40xi32, #tpu.memory_space<vmem>> -> memref<1x40xi32, #tpu.memory_space<vmem>>
    %dma_start3A_26 = tpu.memref_squeeze %dma_start3A_25 : memref<1x40xi32, #tpu.memory_space<vmem>> -> memref<40xi32, #tpu.memory_space<vmem>>
    %dma_start3A_27 = arith.constant 0 : i32
    %dma_start3A_28 = arith.constant 0 : i32
    %dma_start3A_29 = tpu.memref_slice %arg2[%dma_start3A_27, %dma_start3A_28] : memref<10000x128xf32, #tpu.memory_space<hbm>> -> memref<10000x128xf32, #tpu.memory_space<hbm>>
    tpu.enqueue_indirect_dma source(%dma_start3A_29 : memref<10000x128xf32, #tpu.memory_space<hbm>>) target(%arg10 : memref<40x128xf32, #tpu.memory_space<vmem>>) offsets(%dma_start3A_26 : memref<40xi32, #tpu.memory_space<vmem>>) semaphore(%arg17 : memref<!tpu.dma_semaphore, #tpu.memory_space<semaphore_mem>>)
    %dma_start3A_30 = arith.constant 1 : i32
    %dma_start3A_31 = arith.constant 0 : i32
    %dma_start3A_32 = tpu.memref_slice %arg6[%dma_start3A_30, %dma_start3A_31] : memref<2x40xi32, #tpu.memory_space<vmem>> -> memref<1x40xi32, #tpu.memory_space<vmem>>
    %dma_start3A_33 = tpu.memref_squeeze %dma_start3A_32 : memref<1x40xi32, #tpu.memory_space<vmem>> -> memref<40xi32, #tpu.memory_space<vmem>>
    %dma_start3A_34 = arith.constant 0 : i32
    %dma_start3A_35 = arith.constant 0 : i32
    %dma_start3A_36 = tpu.memref_slice %arg2[%dma_start3A_34, %dma_start3A_35] : memref<10000x128xf32, #tpu.memory_space<hbm>> -> memref<10000x128xf32, #tpu.memory_space<hbm>>
    tpu.enqueue_indirect_dma source(%dma_start3A_36 : memref<10000x128xf32, #tpu.memory_space<hbm>>) target(%arg12 : memref<40x128xf32, #tpu.memory_space<vmem>>) offsets(%dma_start3A_33 : memref<40xi32, #tpu.memory_space<vmem>>) semaphore(%arg17 : memref<!tpu.dma_semaphore, #tpu.memory_space<semaphore_mem>>)
    %add3A_37 = arith.constant 1 : i32
    %add3A_38 = arith.addi %mul3A_23, %add3A_37 : i32
    %dma_start3A_39 = arith.constant 0 : i32
    %dma_start3A_40 = arith.constant 0 : i32
    %dma_start3A_41 = tpu.memref_slice %arg3[%add3A_38, %dma_start3A_39, %dma_start3A_40] : memref<8000x2x40xi32, #tpu.memory_space<hbm>> -> memref<1x2x40xi32, #tpu.memory_space<hbm>>
    %dma_start3A_42 = tpu.memref_squeeze %dma_start3A_41 : memref<1x2x40xi32, #tpu.memory_space<hbm>> -> memref<2x40xi32, #tpu.memory_space<hbm>>
    %dma_start3A_43 = arith.constant 0 : i32
    %dma_start3A_44 = arith.constant 0 : i32
    %dma_start3A_45 = tpu.memref_slice %arg3[%add3A_38, %dma_start3A_43, %dma_start3A_44] : memref<8000x2x40xi32, #tpu.memory_space<hbm>> -> memref<1x2x40xi32, #tpu.memory_space<hbm>>
    %dma_start3A_46 = tpu.memref_squeeze %dma_start3A_45 : memref<1x2x40xi32, #tpu.memory_space<hbm>> -> memref<2x40xi32, #tpu.memory_space<hbm>>
    tpu.enqueue_dma source(%dma_start3A_46 : memref<2x40xi32, #tpu.memory_space<hbm>>) target(%arg7 : memref<2x40xi32, #tpu.memory_space<vmem>>) target_semaphore(%arg20 : memref<!tpu.dma_semaphore, #tpu.memory_space<semaphore_mem>>)
    %scan3A_47 = arith.constant 0 : i32
    %scan3A_48 = arith.constant 0 : i32
    %scan3A_49 = arith.constant 125 : i32
    %scan3A_50 = arith.addi %scan3A_48, %scan3A_49 : i32
    %scan3A_51 = arith.constant 1 : i32
    %scan3A_52 = scf.for %scan3A_67 = %scan3A_48 to %scan3A_50 step %scan3A_51 iter_args(%scan3A_68 = %scan3A_47) -> (i32)  : i32 {
      %mul3A_69 = arith.constant 2 : i32
      %mul3A_70 = arith.muli %scan3A_67, %mul3A_69 : i32
      %add3A_71 = arith.constant 0 : i32
      %add3A_72 = arith.addi %mul3A_70, %add3A_71 : i32
      %ge3A = arith.constant 2 : i32
      %ge3A_73 = arith.cmpi sge, %add3A_72, %ge3A : i32
      %convert_element_type3A = arith.extui %ge3A_73 : i1 to i32
      %cond3A = arith.constant 0 : i32
      %cond3A_74 = arith.cmpi ne, %convert_element_type3A, %cond3A : i32
      scf.if %cond3A_74 {
        %dma_wait3A_182 = arith.constant 0 : i32
        %dma_wait3A_183 = arith.constant 0 : i32
        %dma_wait3A_184 = tpu.memref_slice %arg5[%dma_wait3A_182, %dma_wait3A_183] : memref<10000x128xf32, #tpu.memory_space<vmem_shared>> -> memref<10000x128xf32, #tpu.memory_space<vmem_shared>>
        tpu.wait_indirect_dma semaphore(%arg21 : memref<!tpu.dma_semaphore, #tpu.memory_space<semaphore_mem>>) src(%arg14 : memref<40x128xf32, #tpu.memory_space<vmem>>) dst(%dma_wait3A_184 : memref<10000x128xf32, #tpu.memory_space<vmem_shared>>)
      } else {
      }
      %le3A = arith.constant 248 : i32
      %le3A_75 = arith.cmpi sle, %add3A_72, %le3A : i32
      %convert_element_type3A_76 = arith.extui %le3A_75 : i1 to i32
      %cond3A_77 = arith.constant 0 : i32
      %cond3A_78 = arith.cmpi ne, %convert_element_type3A_76, %cond3A_77 : i32
      scf.if %cond3A_78 {
        %dma_wait3A_182 = arith.constant 0 : i32
        %dma_wait3A_183 = arith.constant 0 : i32
        %dma_wait3A_184 = arith.constant 0 : i32
        %dma_wait3A_185 = tpu.memref_slice %arg3[%dma_wait3A_182, %dma_wait3A_183, %dma_wait3A_184] : memref<8000x2x40xi32, #tpu.memory_space<hbm>> -> memref<1x2x40xi32, #tpu.memory_space<hbm>>
        %dma_wait3A_186 = tpu.memref_squeeze %dma_wait3A_185 : memref<1x2x40xi32, #tpu.memory_space<hbm>> -> memref<2x40xi32, #tpu.memory_space<hbm>>
        %dma_wait3A_187 = arith.constant 0 : i32
        %dma_wait3A_188 = arith.constant 0 : i32
        %dma_wait3A_189 = tpu.memref_slice %arg3[%dma_wait3A_182, %dma_wait3A_187, %dma_wait3A_188] : memref<8000x2x40xi32, #tpu.memory_space<hbm>> -> memref<1x2x40xi32, #tpu.memory_space<hbm>>
        %dma_wait3A_190 = tpu.memref_squeeze %dma_wait3A_189 : memref<1x2x40xi32, #tpu.memory_space<hbm>> -> memref<2x40xi32, #tpu.memory_space<hbm>>
        tpu.wait_dma2 semaphore(%arg20 : memref<!tpu.dma_semaphore, #tpu.memory_space<semaphore_mem>>) src(%dma_wait3A_190 : memref<2x40xi32, #tpu.memory_space<hbm>>) dst(%arg7 : memref<2x40xi32, #tpu.memory_space<vmem>>)
        %dma_start3A_191 = arith.constant 0 : i32
        %dma_start3A_192 = arith.constant 0 : i32
        %dma_start3A_193 = tpu.memref_slice %arg7[%dma_start3A_191, %dma_start3A_192] : memref<2x40xi32, #tpu.memory_space<vmem>> -> memref<1x40xi32, #tpu.memory_space<vmem>>
        %dma_start3A_194 = tpu.memref_squeeze %dma_start3A_193 : memref<1x40xi32, #tpu.memory_space<vmem>> -> memref<40xi32, #tpu.memory_space<vmem>>
        %dma_start3A_195 = arith.constant 0 : i32
        %dma_start3A_196 = arith.constant 0 : i32
        %dma_start3A_197 = tpu.memref_slice %arg2[%dma_start3A_195, %dma_start3A_196] : memref<10000x128xf32, #tpu.memory_space<hbm>> -> memref<10000x128xf32, #tpu.memory_space<hbm>>
        tpu.enqueue_indirect_dma source(%dma_start3A_197 : memref<10000x128xf32, #tpu.memory_space<hbm>>) target(%arg11 : memref<40x128xf32, #tpu.memory_space<vmem>>) offsets(%dma_start3A_194 : memref<40xi32, #tpu.memory_space<vmem>>) semaphore(%arg18 : memref<!tpu.dma_semaphore, #tpu.memory_space<semaphore_mem>>)
        %dma_start3A_198 = arith.constant 1 : i32
        %dma_start3A_199 = arith.constant 0 : i32
        %dma_start3A_200 = tpu.memref_slice %arg7[%dma_start3A_198, %dma_start3A_199] : memref<2x40xi32, #tpu.memory_space<vmem>> -> memref<1x40xi32, #tpu.memory_space<vmem>>
        %dma_start3A_201 = tpu.memref_squeeze %dma_start3A_200 : memref<1x40xi32, #tpu.memory_space<vmem>> -> memref<40xi32, #tpu.memory_space<vmem>>
        %dma_start3A_202 = arith.constant 0 : i32
        %dma_start3A_203 = arith.constant 0 : i32
        %dma_start3A_204 = tpu.memref_slice %arg2[%dma_start3A_202, %dma_start3A_203] : memref<10000x128xf32, #tpu.memory_space<hbm>> -> memref<10000x128xf32, #tpu.memory_space<hbm>>
        tpu.enqueue_indirect_dma source(%dma_start3A_204 : memref<10000x128xf32, #tpu.memory_space<hbm>>) target(%arg13 : memref<40x128xf32, #tpu.memory_space<vmem>>) offsets(%dma_start3A_201 : memref<40xi32, #tpu.memory_space<vmem>>) semaphore(%arg18 : memref<!tpu.dma_semaphore, #tpu.memory_space<semaphore_mem>>)
      } else {
      }
      %dma_wait3A_79 = arith.constant 0 : i32
      %dma_wait3A_80 = arith.constant 0 : i32
      %dma_wait3A_81 = tpu.memref_slice %arg2[%dma_wait3A_79, %dma_wait3A_80] : memref<10000x128xf32, #tpu.memory_space<hbm>> -> memref<40x128xf32, #tpu.memory_space<hbm>>
      %dma_wait3A_82 = arith.constant 0 : i32
      %dma_wait3A_83 = arith.constant 0 : i32
      %dma_wait3A_84 = tpu.memref_slice %arg2[%dma_wait3A_82, %dma_wait3A_83] : memref<10000x128xf32, #tpu.memory_space<hbm>> -> memref<40x128xf32, #tpu.memory_space<hbm>>
      tpu.wait_dma2 semaphore(%arg17 : memref<!tpu.dma_semaphore, #tpu.memory_space<semaphore_mem>>) src(%dma_wait3A_84 : memref<40x128xf32, #tpu.memory_space<hbm>>) dst(%arg10 : memref<40x128xf32, #tpu.memory_space<vmem>>)
      %dma_wait3A_85 = arith.constant 0 : i32
      %dma_wait3A_86 = arith.constant 0 : i32
      %dma_wait3A_87 = tpu.memref_slice %arg2[%dma_wait3A_85, %dma_wait3A_86] : memref<10000x128xf32, #tpu.memory_space<hbm>> -> memref<40x128xf32, #tpu.memory_space<hbm>>
      %dma_wait3A_88 = arith.constant 0 : i32
      %dma_wait3A_89 = arith.constant 0 : i32
      %dma_wait3A_90 = tpu.memref_slice %arg2[%dma_wait3A_88, %dma_wait3A_89] : memref<10000x128xf32, #tpu.memory_space<hbm>> -> memref<40x128xf32, #tpu.memory_space<hbm>>
      tpu.wait_dma2 semaphore(%arg17 : memref<!tpu.dma_semaphore, #tpu.memory_space<semaphore_mem>>) src(%dma_wait3A_90 : memref<40x128xf32, #tpu.memory_space<hbm>>) dst(%arg12 : memref<40x128xf32, #tpu.memory_space<vmem>>)
      %get3A = arith.constant 1 : i32
      %get3A_91 = arith.index_cast %get3A : i32 to index
      %get3A_92 = arith.constant 0 : index
      %get3A_93 = tpu.vector_load %arg6[%get3A_91, %get3A_92] {strides = array<i32>} : memref<2x40xi32, #tpu.memory_space<vmem>>, vector<16xi32>,
      %swap3A = arith.constant 0 : index
      %swap3A_94 = tpu.vector_load %arg8[%swap3A] {strides = array<i32>} : memref<40xi32, #tpu.memory_space<vmem>>, vector<16xi32>,
      tpu.vector_store %arg8[%swap3A], %get3A_93 {strides = array<i32>} : memref<40xi32, #tpu.memory_space<vmem>>, vector<16xi32>,
      %get3A_95 = arith.constant 1 : i32
      %get3A_96 = arith.index_cast %get3A_95 : i32 to index
      %get3A_97 = arith.constant 16 : index
      %get3A_98 = tpu.vector_load %arg6[%get3A_96, %get3A_97] {strides = array<i32>} : memref<2x40xi32, #tpu.memory_space<vmem>>, vector<16xi32>,
      %swap3A_99 = arith.constant 16 : index
      %swap3A_100 = tpu.vector_load %arg8[%swap3A_99] {strides = array<i32>} : memref<40xi32, #tpu.memory_space<vmem>>, vector<16xi32>,
      tpu.vector_store %arg8[%swap3A_99], %get3A_98 {strides = array<i32>} : memref<40xi32, #tpu.memory_space<vmem>>, vector<16xi32>,
      %get3A_101 = arith.constant 1 : i32
      %get3A_102 = arith.index_cast %get3A_101 : i32 to index
      %get3A_103 = arith.constant 24 : index
      %get3A_104 = tpu.vector_load %arg6[%get3A_102, %get3A_103] {strides = array<i32>} : memref<2x40xi32, #tpu.memory_space<vmem>>, vector<16xi32>,
      %swap3A_105 = arith.constant 24 : index
      %swap3A_106 = tpu.vector_load %arg8[%swap3A_105] {strides = array<i32>} : memref<40xi32, #tpu.memory_space<vmem>>, vector<16xi32>,
      tpu.vector_store %arg8[%swap3A_105], %get3A_104 {strides = array<i32>} : memref<40xi32, #tpu.memory_space<vmem>>, vector<16xi32>,
      %le3A_107 = arith.constant 247 : i32
      %le3A_108 = arith.cmpi sle, %add3A_72, %le3A_107 : i32
      %convert_element_type3A_109 = arith.extui %le3A_108 : i1 to i32
      %cond3A_110 = arith.constant 0 : i32
      %cond3A_111 = arith.cmpi ne, %convert_element_type3A_109, %cond3A_110 : i32
      scf.if %cond3A_111 {
        %add3A_182 = arith.addi %mul3A_23, %add3A_72 : i32
        %add3A_183 = arith.constant 2 : i32
        %add3A_184 = arith.addi %add3A_182, %add3A_183 : i32
        %dma_start3A_185 = arith.constant 0 : i32
        %dma_start3A_186 = arith.constant 0 : i32
        %dma_start3A_187 = tpu.memref_slice %arg3[%add3A_184, %dma_start3A_185, %dma_start3A_186] : memref<8000x2x40xi32, #tpu.memory_space<hbm>> -> memref<1x2x40xi32, #tpu.memory_space<hbm>>
        %dma_start3A_188 = tpu.memref_squeeze %dma_start3A_187 : memref<1x2x40xi32, #tpu.memory_space<hbm>> -> memref<2x40xi32, #tpu.memory_space<hbm>>
        %dma_start3A_189 = arith.constant 0 : i32
        %dma_start3A_190 = arith.constant 0 : i32
        %dma_start3A_191 = tpu.memref_slice %arg3[%add3A_184, %dma_start3A_189, %dma_start3A_190] : memref<8000x2x40xi32, #tpu.memory_space<hbm>> -> memref<1x2x40xi32, #tpu.memory_space<hbm>>
        %dma_start3A_192 = tpu.memref_squeeze %dma_start3A_191 : memref<1x2x40xi32, #tpu.memory_space<hbm>> -> memref<2x40xi32, #tpu.memory_space<hbm>>
        tpu.enqueue_dma source(%dma_start3A_192 : memref<2x40xi32, #tpu.memory_space<hbm>>) target(%arg6 : memref<2x40xi32, #tpu.memory_space<vmem>>) target_semaphore(%arg19 : memref<!tpu.dma_semaphore, #tpu.memory_space<semaphore_mem>>)
      } else {
      }
      %scan3A_112 = arith.constant 0 : i32
      %scan3A_113 = arith.constant 0 : i32
      %scan3A_114 = arith.constant 20 : i32
      %scan3A_115 = arith.addi %scan3A_113, %scan3A_114 : i32
      %scan3A_116 = arith.constant 1 : i32
      %scan3A_117 = scf.for %scan3A_182 = %scan3A_113 to %scan3A_115 step %scan3A_116 iter_args(%scan3A_183 = %scan3A_112) -> (i32)  : i32 {
        %mul3A_184 = arith.constant 2 : i32
        %mul3A_185 = arith.muli %scan3A_182, %mul3A_184 : i32
        %add3A_186 = vector.broadcast %mul3A_185 : i32 to vector<16xi32>
        %add3A_187 = arith.addi %add3A_186, %shift_right_arithmetic3A_2 : vector<16xi32>
        %broadcast_in_dim3A_188 = arith.constant 0.000000e+00 : f32
        %broadcast_in_dim3A_189 = vector.broadcast %broadcast_in_dim3A_188 : f32 to vector<16xf32>
        %broadcast_in_dim3A_190 = arith.constant 0.000000e+00 : f32
        %broadcast_in_dim3A_191 = vector.broadcast %broadcast_in_dim3A_190 : f32 to vector<16xf32>
        %broadcast_in_dim3A_192 = arith.constant 0.000000e+00 : f32
        %broadcast_in_dim3A_193 = vector.broadcast %broadcast_in_dim3A_192 : f32 to vector<16xf32>
        %broadcast_in_dim3A_194 = arith.constant 0.000000e+00 : f32
        %broadcast_in_dim3A_195 = vector.broadcast %broadcast_in_dim3A_194 : f32 to vector<16xf32>
        %add3A_196 = arith.constant 0 : i32
        %add3A_197 = vector.broadcast %add3A_196 : i32 to vector<16xi32>
        %add3A_198 = arith.addi %mul3A_7, %add3A_197 : vector<16xi32>
        %gather3A = tpu.vector_load_idx %arg12[%add3A_187, %add3A_198] : memref<40x128xf32, #tpu.memory_space<vmem>>[vector<16xi32>, vector<16xi32>], vector<16xf32>,
        %gather3A_199 = tpu.vector_load_idx %arg10[%add3A_187, %add3A_198] : memref<40x128xf32, #tpu.memory_space<vmem>>[vector<16xi32>, vector<16xi32>], vector<16xf32>,
        %mul3A_200 = arith.mulf %gather3A, %gather3A_199 : vector<16xf32>
        %add3A_201 = arith.addf %broadcast_in_dim3A_189, %mul3A_200 : vector<16xf32>
        %add3A_202 = arith.constant 1 : i32
        %add3A_203 = vector.broadcast %add3A_202 : i32 to vector<16xi32>
        %add3A_204 = arith.addi %mul3A_7, %add3A_203 : vector<16xi32>
        %gather3A_205 = tpu.vector_load_idx %arg12[%add3A_187, %add3A_204] : memref<40x128xf32, #tpu.memory_space<vmem>>[vector<16xi32>, vector<16xi32>], vector<16xf32>,
        %gather3A_206 = tpu.vector_load_idx %arg10[%add3A_187, %add3A_204] : memref<40x128xf32, #tpu.memory_space<vmem>>[vector<16xi32>, vector<16xi32>], vector<16xf32>,
        %mul3A_207 = arith.mulf %gather3A_205, %gather3A_206 : vector<16xf32>
        %add3A_208 = arith.addf %broadcast_in_dim3A_191, %mul3A_207 : vector<16xf32>
        %add3A_209 = arith.constant 2 : i32
        %add3A_210 = vector.broadcast %add3A_209 : i32 to vector<16xi32>
        %add3A_211 = arith.addi %mul3A_7, %add3A_210 : vector<16xi32>
        %gather3A_212 = tpu.vector_load_idx %arg12[%add3A_187, %add3A_211] : memref<40x128xf32, #tpu.memory_space<vmem>>[vector<16xi32>, vector<16xi32>], vector<16xf32>,
        %gather3A_213 = tpu.vector_load_idx %arg10[%add3A_187, %add3A_211] : memref<40x128xf32, #tpu.memory_space<vmem>>[vector<16xi32>, vector<16xi32>], vector<16xf32>,
        %mul3A_214 = arith.mulf %gather3A_212, %gather3A_213 : vector<16xf32>
        %add3A_215 = arith.addf %broadcast_in_dim3A_193, %mul3A_214 : vector<16xf32>
        %add3A_216 = arith.constant 3 : i32
        %add3A_217 = vector.broadcast %add3A_216 : i32 to vector<16xi32>
        %add3A_218 = arith.addi %mul3A_7, %add3A_217 : vector<16xi32>
        %gather3A_219 = tpu.vector_load_idx %arg12[%add3A_187, %add3A_218] : memref<40x128xf32, #tpu.memory_space<vmem>>[vector<16xi32>, vector<16xi32>], vector<16xf32>,
        %gather3A_220 = tpu.vector_load_idx %arg10[%add3A_187, %add3A_218] : memref<40x128xf32, #tpu.memory_space<vmem>>[vector<16xi32>, vector<16xi32>], vector<16xf32>,
        %mul3A_221 = arith.mulf %gather3A_219, %gather3A_220 : vector<16xf32>
        %add3A_222 = arith.addf %broadcast_in_dim3A_195, %mul3A_221 : vector<16xf32>
        %add3A_223 = arith.constant 4 : i32
        %add3A_224 = vector.broadcast %add3A_223 : i32 to vector<16xi32>
        %add3A_225 = arith.addi %mul3A_7, %add3A_224 : vector<16xi32>
        %gather3A_226 = tpu.vector_load_idx %arg12[%add3A_187, %add3A_225] : memref<40x128xf32, #tpu.memory_space<vmem>>[vector<16xi32>, vector<16xi32>], vector<16xf32>,
        %gather3A_227 = tpu.vector_load_idx %arg10[%add3A_187, %add3A_225] : memref<40x128xf32, #tpu.memory_space<vmem>>[vector<16xi32>, vector<16xi32>], vector<16xf32>,
        %mul3A_228 = arith.mulf %gather3A_226, %gather3A_227 : vector<16xf32>
        %add3A_229 = arith.addf %add3A_201, %mul3A_228 : vector<16xf32>
        %add3A_230 = arith.constant 5 : i32
        %add3A_231 = vector.broadcast %add3A_230 : i32 to vector<16xi32>
        %add3A_232 = arith.addi %mul3A_7, %add3A_231 : vector<16xi32>
        %gather3A_233 = tpu.vector_load_idx %arg12[%add3A_187, %add3A_232] : memref<40x128xf32, #tpu.memory_space<vmem>>[vector<16xi32>, vector<16xi32>], vector<16xf32>,
        %gather3A_234 = tpu.vector_load_idx %arg10[%add3A_187, %add3A_232] : memref<40x128xf32, #tpu.memory_space<vmem>>[vector<16xi32>, vector<16xi32>], vector<16xf32>,
        %mul3A_235 = arith.mulf %gather3A_233, %gather3A_234 : vector<16xf32>
        %add3A_236 = arith.addf %add3A_208, %mul3A_235 : vector<16xf32>
        %add3A_237 = arith.constant 6 : i32
        %add3A_238 = vector.broadcast %add3A_237 : i32 to vector<16xi32>
        %add3A_239 = arith.addi %mul3A_7, %add3A_238 : vector<16xi32>
        %gather3A_240 = tpu.vector_load_idx %arg12[%add3A_187, %add3A_239] : memref<40x128xf32, #tpu.memory_space<vmem>>[vector<16xi32>, vector<16xi32>], vector<16xf32>,
        %gather3A_241 = tpu.vector_load_idx %arg10[%add3A_187, %add3A_239] : memref<40x128xf32, #tpu.memory_space<vmem>>[vector<16xi32>, vector<16xi32>], vector<16xf32>,
        %mul3A_242 = arith.mulf %gather3A_240, %gather3A_241 : vector<16xf32>
        %add3A_243 = arith.addf %add3A_215, %mul3A_242 : vector<16xf32>
        %add3A_244 = arith.constant 7 : i32
        %add3A_245 = vector.broadcast %add3A_244 : i32 to vector<16xi32>
        %add3A_246 = arith.addi %mul3A_7, %add3A_245 : vector<16xi32>
        %gather3A_247 = tpu.vector_load_idx %arg12[%add3A_187, %add3A_246] : memref<40x128xf32, #tpu.memory_space<vmem>>[vector<16xi32>, vector<16xi32>], vector<16xf32>,
        %gather3A_248 = tpu.vector_load_idx %arg10[%add3A_187, %add3A_246] : memref<40x128xf32, #tpu.memory_space<vmem>>[vector<16xi32>, vector<16xi32>], vector<16xf32>,
        %mul3A_249 = arith.mulf %gather3A_247, %gather3A_248 : vector<16xf32>
        %add3A_250 = arith.addf %add3A_222, %mul3A_249 : vector<16xf32>
        %add3A_251 = arith.constant 8 : i32
        %add3A_252 = vector.broadcast %add3A_251 : i32 to vector<16xi32>
        %add3A_253 = arith.addi %mul3A_7, %add3A_252 : vector<16xi32>
        %gather3A_254 = tpu.vector_load_idx %arg12[%add3A_187, %add3A_253] : memref<40x128xf32, #tpu.memory_space<vmem>>[vector<16xi32>, vector<16xi32>], vector<16xf32>,
        %gather3A_255 = tpu.vector_load_idx %arg10[%add3A_187, %add3A_253] : memref<40x128xf32, #tpu.memory_space<vmem>>[vector<16xi32>, vector<16xi32>], vector<16xf32>,
        %mul3A_256 = arith.mulf %gather3A_254, %gather3A_255 : vector<16xf32>
        %add3A_257 = arith.addf %add3A_229, %mul3A_256 : vector<16xf32>
        %add3A_258 = arith.constant 9 : i32
        %add3A_259 = vector.broadcast %add3A_258 : i32 to vector<16xi32>
        %add3A_260 = arith.addi %mul3A_7, %add3A_259 : vector<16xi32>
        %gather3A_261 = tpu.vector_load_idx %arg12[%add3A_187, %add3A_260] : memref<40x128xf32, #tpu.memory_space<vmem>>[vector<16xi32>, vector<16xi32>], vector<16xf32>,
        %gather3A_262 = tpu.vector_load_idx %arg10[%add3A_187, %add3A_260] : memref<40x128xf32, #tpu.memory_space<vmem>>[vector<16xi32>, vector<16xi32>], vector<16xf32>,
        %mul3A_263 = arith.mulf %gather3A_261, %gather3A_262 : vector<16xf32>
        %add3A_264 = arith.addf %add3A_236, %mul3A_263 : vector<16xf32>
        %add3A_265 = arith.constant 10 : i32
        %add3A_266 = vector.broadcast %add3A_265 : i32 to vector<16xi32>
        %add3A_267 = arith.addi %mul3A_7, %add3A_266 : vector<16xi32>
        %gather3A_268 = tpu.vector_load_idx %arg12[%add3A_187, %add3A_267] : memref<40x128xf32, #tpu.memory_space<vmem>>[vector<16xi32>, vector<16xi32>], vector<16xf32>,
        %gather3A_269 = tpu.vector_load_idx %arg10[%add3A_187, %add3A_267] : memref<40x128xf32, #tpu.memory_space<vmem>>[vector<16xi32>, vector<16xi32>], vector<16xf32>,
        %mul3A_270 = arith.mulf %gather3A_268, %gather3A_269 : vector<16xf32>
        %add3A_271 = arith.addf %add3A_243, %mul3A_270 : vector<16xf32>
        %add3A_272 = arith.constant 11 : i32
        %add3A_273 = vector.broadcast %add3A_272 : i32 to vector<16xi32>
        %add3A_274 = arith.addi %mul3A_7, %add3A_273 : vector<16xi32>
        %gather3A_275 = tpu.vector_load_idx %arg12[%add3A_187, %add3A_274] : memref<40x128xf32, #tpu.memory_space<vmem>>[vector<16xi32>, vector<16xi32>], vector<16xf32>,
        %gather3A_276 = tpu.vector_load_idx %arg10[%add3A_187, %add3A_274] : memref<40x128xf32, #tpu.memory_space<vmem>>[vector<16xi32>, vector<16xi32>], vector<16xf32>,
        %mul3A_277 = arith.mulf %gather3A_275, %gather3A_276 : vector<16xf32>
        %add3A_278 = arith.addf %add3A_250, %mul3A_277 : vector<16xf32>
        %add3A_279 = arith.constant 12 : i32
        %add3A_280 = vector.broadcast %add3A_279 : i32 to vector<16xi32>
        %add3A_281 = arith.addi %mul3A_7, %add3A_280 : vector<16xi32>
        %gather3A_282 = tpu.vector_load_idx %arg12[%add3A_187, %add3A_281] : memref<40x128xf32, #tpu.memory_space<vmem>>[vector<16xi32>, vector<16xi32>], vector<16xf32>,
        %gather3A_283 = tpu.vector_load_idx %arg10[%add3A_187, %add3A_281] : memref<40x128xf32, #tpu.memory_space<vmem>>[vector<16xi32>, vector<16xi32>], vector<16xf32>,
        %mul3A_284 = arith.mulf %gather3A_282, %gather3A_283 : vector<16xf32>
        %add3A_285 = arith.addf %add3A_257, %mul3A_284 : vector<16xf32>
        %add3A_286 = arith.constant 13 : i32
        %add3A_287 = vector.broadcast %add3A_286 : i32 to vector<16xi32>
        %add3A_288 = arith.addi %mul3A_7, %add3A_287 : vector<16xi32>
        %gather3A_289 = tpu.vector_load_idx %arg12[%add3A_187, %add3A_288] : memref<40x128xf32, #tpu.memory_space<vmem>>[vector<16xi32>, vector<16xi32>], vector<16xf32>,
        %gather3A_290 = tpu.vector_load_idx %arg10[%add3A_187, %add3A_288] : memref<40x128xf32, #tpu.memory_space<vmem>>[vector<16xi32>, vector<16xi32>], vector<16xf32>,
        %mul3A_291 = arith.mulf %gather3A_289, %gather3A_290 : vector<16xf32>
        %add3A_292 = arith.addf %add3A_264, %mul3A_291 : vector<16xf32>
        %add3A_293 = arith.constant 14 : i32
        %add3A_294 = vector.broadcast %add3A_293 : i32 to vector<16xi32>
        %add3A_295 = arith.addi %mul3A_7, %add3A_294 : vector<16xi32>
        %gather3A_296 = tpu.vector_load_idx %arg12[%add3A_187, %add3A_295] : memref<40x128xf32, #tpu.memory_space<vmem>>[vector<16xi32>, vector<16xi32>], vector<16xf32>,
        %gather3A_297 = tpu.vector_load_idx %arg10[%add3A_187, %add3A_295] : memref<40x128xf32, #tpu.memory_space<vmem>>[vector<16xi32>, vector<16xi32>], vector<16xf32>,
        %mul3A_298 = arith.mulf %gather3A_296, %gather3A_297 : vector<16xf32>
        %add3A_299 = arith.addf %add3A_271, %mul3A_298 : vector<16xf32>
        %add3A_300 = arith.constant 15 : i32
        %add3A_301 = vector.broadcast %add3A_300 : i32 to vector<16xi32>
        %add3A_302 = arith.addi %mul3A_7, %add3A_301 : vector<16xi32>
        %gather3A_303 = tpu.vector_load_idx %arg12[%add3A_187, %add3A_302] : memref<40x128xf32, #tpu.memory_space<vmem>>[vector<16xi32>, vector<16xi32>], vector<16xf32>,
        %gather3A_304 = tpu.vector_load_idx %arg10[%add3A_187, %add3A_302] : memref<40x128xf32, #tpu.memory_space<vmem>>[vector<16xi32>, vector<16xi32>], vector<16xf32>,
        %mul3A_305 = arith.mulf %gather3A_303, %gather3A_304 : vector<16xf32>
        %add3A_306 = arith.addf %add3A_278, %mul3A_305 : vector<16xf32>
        %add3A_307 = arith.addf %add3A_285, %add3A_292 : vector<16xf32>
        %add3A_308 = arith.addf %add3A_299, %add3A_306 : vector<16xf32>
        %add3A_309 = arith.addf %add3A_307, %add3A_308 : vector<16xf32>
        %broadcast_in_dim3A_310 = arith.constant -0.99999988 : f32
        %broadcast_in_dim3A_311 = vector.broadcast %broadcast_in_dim3A_310 : f32 to vector<16xf32>
        %max3A = arith.maximumf %add3A_309, %broadcast_in_dim3A_311 : vector<16xf32>
        %broadcast_in_dim3A_312 = arith.constant 0.99999988 : f32
        %broadcast_in_dim3A_313 = vector.broadcast %broadcast_in_dim3A_312 : f32 to vector<16xf32>
        %min3A = arith.minimumf %max3A, %broadcast_in_dim3A_313 : vector<16xf32>
        %abs3A = math.absf %min3A : vector<16xf32>
        %broadcast_in_dim3A_314 = arith.constant -0.0012624911 : f32
        %broadcast_in_dim3A_315 = vector.broadcast %broadcast_in_dim3A_314 : f32 to vector<16xf32>
        %mul3A_316 = arith.mulf %broadcast_in_dim3A_315, %abs3A : vector<16xf32>
        %broadcast_in_dim3A_317 = arith.constant 6.670090e-03 : f32
        %broadcast_in_dim3A_318 = vector.broadcast %broadcast_in_dim3A_317 : f32 to vector<16xf32>
        %add3A_319 = arith.addf %mul3A_316, %broadcast_in_dim3A_318 : vector<16xf32>
        %mul3A_320 = arith.mulf %add3A_319, %abs3A : vector<16xf32>
        %broadcast_in_dim3A_321 = arith.constant -0.0170881264 : f32
        %broadcast_in_dim3A_322 = vector.broadcast %broadcast_in_dim3A_321 : f32 to vector<16xf32>
        %add3A_323 = arith.addf %mul3A_320, %broadcast_in_dim3A_322 : vector<16xf32>
        %mul3A_324 = arith.mulf %add3A_323, %abs3A : vector<16xf32>
        %broadcast_in_dim3A_325 = arith.constant 0.0308918804 : f32
        %broadcast_in_dim3A_326 = vector.broadcast %broadcast_in_dim3A_325 : f32 to vector<16xf32>
        %add3A_327 = arith.addf %mul3A_324, %broadcast_in_dim3A_326 : vector<16xf32>
        %mul3A_328 = arith.mulf %add3A_327, %abs3A : vector<16xf32>
        %broadcast_in_dim3A_329 = arith.constant -0.0501743034 : f32
        %broadcast_in_dim3A_330 = vector.broadcast %broadcast_in_dim3A_329 : f32 to vector<16xf32>
        %add3A_331 = arith.addf %mul3A_328, %broadcast_in_dim3A_330 : vector<16xf32>
        %mul3A_332 = arith.mulf %add3A_331, %abs3A : vector<16xf32>
        %broadcast_in_dim3A_333 = arith.constant 0.0889789909 : f32
        %broadcast_in_dim3A_334 = vector.broadcast %broadcast_in_dim3A_333 : f32 to vector<16xf32>
        %add3A_335 = arith.addf %mul3A_332, %broadcast_in_dim3A_334 : vector<16xf32>
        %mul3A_336 = arith.mulf %add3A_335, %abs3A : vector<16xf32>
        %broadcast_in_dim3A_337 = arith.constant -0.214598805 : f32
        %broadcast_in_dim3A_338 = vector.broadcast %broadcast_in_dim3A_337 : f32 to vector<16xf32>
        %add3A_339 = arith.addf %mul3A_336, %broadcast_in_dim3A_338 : vector<16xf32>
        %mul3A_340 = arith.mulf %add3A_339, %abs3A : vector<16xf32>
        %broadcast_in_dim3A_341 = arith.constant 1.57079625 : f32
        %broadcast_in_dim3A_342 = vector.broadcast %broadcast_in_dim3A_341 : f32 to vector<16xf32>
        %add3A_343 = arith.addf %mul3A_340, %broadcast_in_dim3A_342 : vector<16xf32>
        %broadcast_in_dim3A_344 = arith.constant 1.000000e+00 : f32
        %broadcast_in_dim3A_345 = vector.broadcast %broadcast_in_dim3A_344 : f32 to vector<16xf32>
        %add3A_346 = arith.addf %broadcast_in_dim3A_345, %abs3A : vector<16xf32>
        %bitcast_convert_type3A = tpu.bitcast %add3A_346 : vector<16xf32> -> vector<16xi32>
        %shift_right_arithmetic3A_347 = arith.constant 1 : i32
        %shift_right_arithmetic3A_348 = vector.broadcast %shift_right_arithmetic3A_347 : i32 to vector<16xi32>
        %shift_right_arithmetic3A_349 = arith.shrsi %bitcast_convert_type3A, %shift_right_arithmetic3A_348 : vector<16xi32>
        %sub3A = arith.constant 1597463007 : i32
        %sub3A_350 = vector.broadcast %sub3A : i32 to vector<16xi32>
        %sub3A_351 = arith.subi %sub3A_350, %shift_right_arithmetic3A_349 : vector<16xi32>
        %bitcast_convert_type3A_352 = tpu.bitcast %sub3A_351 : vector<16xi32> -> vector<16xf32>
        %broadcast_in_dim3A_353 = arith.constant 1.500000e+00 : f32
        %broadcast_in_dim3A_354 = vector.broadcast %broadcast_in_dim3A_353 : f32 to vector<16xf32>
        %broadcast_in_dim3A_355 = arith.constant 5.000000e-01 : f32
        %broadcast_in_dim3A_356 = vector.broadcast %broadcast_in_dim3A_355 : f32 to vector<16xf32>
        %mul3A_357 = arith.mulf %broadcast_in_dim3A_356, %add3A_346 : vector<16xf32>
        %mul3A_358 = arith.mulf %mul3A_357, %bitcast_convert_type3A_352 : vector<16xf32>
        %mul3A_359 = arith.mulf %mul3A_358, %bitcast_convert_type3A_352 : vector<16xf32>
        %sub3A_360 = arith.subf %broadcast_in_dim3A_354, %mul3A_359 : vector<16xf32>
        %mul3A_361 = arith.mulf %bitcast_convert_type3A_352, %sub3A_360 : vector<16xf32>
        %broadcast_in_dim3A_362 = arith.constant 1.500000e+00 : f32
        %broadcast_in_dim3A_363 = vector.broadcast %broadcast_in_dim3A_362 : f32 to vector<16xf32>
        %broadcast_in_dim3A_364 = arith.constant 5.000000e-01 : f32
        %broadcast_in_dim3A_365 = vector.broadcast %broadcast_in_dim3A_364 : f32 to vector<16xf32>
        %mul3A_366 = arith.mulf %broadcast_in_dim3A_365, %add3A_346 : vector<16xf32>
        %mul3A_367 = arith.mulf %mul3A_366, %mul3A_361 : vector<16xf32>
        %mul3A_368 = arith.mulf %mul3A_367, %mul3A_361 : vector<16xf32>
        %sub3A_369 = arith.subf %broadcast_in_dim3A_363, %mul3A_368 : vector<16xf32>
        %mul3A_370 = arith.mulf %mul3A_361, %sub3A_369 : vector<16xf32>
        %broadcast_in_dim3A_371 = arith.constant 1.500000e+00 : f32
        %broadcast_in_dim3A_372 = vector.broadcast %broadcast_in_dim3A_371 : f32 to vector<16xf32>
        %broadcast_in_dim3A_373 = arith.constant 5.000000e-01 : f32
        %broadcast_in_dim3A_374 = vector.broadcast %broadcast_in_dim3A_373 : f32 to vector<16xf32>
        %mul3A_375 = arith.mulf %broadcast_in_dim3A_374, %add3A_346 : vector<16xf32>
        %mul3A_376 = arith.mulf %mul3A_375, %mul3A_370 : vector<16xf32>
        %mul3A_377 = arith.mulf %mul3A_376, %mul3A_370 : vector<16xf32>
        %sub3A_378 = arith.subf %broadcast_in_dim3A_372, %mul3A_377 : vector<16xf32>
        %mul3A_379 = arith.mulf %mul3A_370, %sub3A_378 : vector<16xf32>
        %broadcast_in_dim3A_380 = arith.constant 1.000000e+00 : f32
        %broadcast_in_dim3A_381 = vector.broadcast %broadcast_in_dim3A_380 : f32 to vector<16xf32>
        %sub3A_382 = arith.subf %broadcast_in_dim3A_381, %abs3A : vector<16xf32>
        %bitcast_convert_type3A_383 = tpu.bitcast %sub3A_382 : vector<16xf32> -> vector<16xi32>
        %shift_right_arithmetic3A_384 = arith.constant 1 : i32
        %shift_right_arithmetic3A_385 = vector.broadcast %shift_right_arithmetic3A_384 : i32 to vector<16xi32>
        %shift_right_arithmetic3A_386 = arith.shrsi %bitcast_convert_type3A_383, %shift_right_arithmetic3A_385 : vector<16xi32>
        %sub3A_387 = arith.constant 1597463007 : i32
        %sub3A_388 = vector.broadcast %sub3A_387 : i32 to vector<16xi32>
        %sub3A_389 = arith.subi %sub3A_388, %shift_right_arithmetic3A_386 : vector<16xi32>
        %bitcast_convert_type3A_390 = tpu.bitcast %sub3A_389 : vector<16xi32> -> vector<16xf32>
        %broadcast_in_dim3A_391 = arith.constant 1.500000e+00 : f32
        %broadcast_in_dim3A_392 = vector.broadcast %broadcast_in_dim3A_391 : f32 to vector<16xf32>
        %broadcast_in_dim3A_393 = arith.constant 5.000000e-01 : f32
        %broadcast_in_dim3A_394 = vector.broadcast %broadcast_in_dim3A_393 : f32 to vector<16xf32>
        %mul3A_395 = arith.mulf %broadcast_in_dim3A_394, %sub3A_382 : vector<16xf32>
        %mul3A_396 = arith.mulf %mul3A_395, %bitcast_convert_type3A_390 : vector<16xf32>
        %mul3A_397 = arith.mulf %mul3A_396, %bitcast_convert_type3A_390 : vector<16xf32>
        %sub3A_398 = arith.subf %broadcast_in_dim3A_392, %mul3A_397 : vector<16xf32>
        %mul3A_399 = arith.mulf %bitcast_convert_type3A_390, %sub3A_398 : vector<16xf32>
        %broadcast_in_dim3A_400 = arith.constant 1.500000e+00 : f32
        %broadcast_in_dim3A_401 = vector.broadcast %broadcast_in_dim3A_400 : f32 to vector<16xf32>
        %broadcast_in_dim3A_402 = arith.constant 5.000000e-01 : f32
        %broadcast_in_dim3A_403 = vector.broadcast %broadcast_in_dim3A_402 : f32 to vector<16xf32>
        %mul3A_404 = arith.mulf %broadcast_in_dim3A_403, %sub3A_382 : vector<16xf32>
        %mul3A_405 = arith.mulf %mul3A_404, %mul3A_399 : vector<16xf32>
        %mul3A_406 = arith.mulf %mul3A_405, %mul3A_399 : vector<16xf32>
        %sub3A_407 = arith.subf %broadcast_in_dim3A_401, %mul3A_406 : vector<16xf32>
        %mul3A_408 = arith.mulf %mul3A_399, %sub3A_407 : vector<16xf32>
        %broadcast_in_dim3A_409 = arith.constant 1.500000e+00 : f32
        %broadcast_in_dim3A_410 = vector.broadcast %broadcast_in_dim3A_409 : f32 to vector<16xf32>
        %broadcast_in_dim3A_411 = arith.constant 5.000000e-01 : f32
        %broadcast_in_dim3A_412 = vector.broadcast %broadcast_in_dim3A_411 : f32 to vector<16xf32>
        %mul3A_413 = arith.mulf %broadcast_in_dim3A_412, %sub3A_382 : vector<16xf32>
        %mul3A_414 = arith.mulf %mul3A_413, %mul3A_408 : vector<16xf32>
        %mul3A_415 = arith.mulf %mul3A_414, %mul3A_408 : vector<16xf32>
        %sub3A_416 = arith.subf %broadcast_in_dim3A_410, %mul3A_415 : vector<16xf32>
        %mul3A_417 = arith.mulf %mul3A_408, %sub3A_416 : vector<16xf32>
        %broadcast_in_dim3A_418 = arith.constant 0.000000e+00 : f32
        %broadcast_in_dim3A_419 = vector.broadcast %broadcast_in_dim3A_418 : f32 to vector<16xf32>
        %lt3A = arith.cmpf olt, %min3A, %broadcast_in_dim3A_419 : vector<16xf32>
        %broadcast_in_dim3A_420 = arith.constant 3.14159274 : f32
        %broadcast_in_dim3A_421 = vector.broadcast %broadcast_in_dim3A_420 : f32 to vector<16xf32>
        %mul3A_422 = arith.mulf %broadcast_in_dim3A_421, %mul3A_417 : vector<16xf32>
        %broadcast_in_dim3A_423 = arith.constant 0.000000e+00 : f32
        %broadcast_in_dim3A_424 = vector.broadcast %broadcast_in_dim3A_423 : f32 to vector<16xf32>
        %select_n3A = arith.select %lt3A, %mul3A_422, %broadcast_in_dim3A_424 : vector<16xi1>, vector<16xf32>
        %broadcast_in_dim3A_425 = arith.constant -1.000000e+00 : f32
        %broadcast_in_dim3A_426 = vector.broadcast %broadcast_in_dim3A_425 : f32 to vector<16xf32>
        %broadcast_in_dim3A_427 = arith.constant 1.000000e+00 : f32
        %broadcast_in_dim3A_428 = vector.broadcast %broadcast_in_dim3A_427 : f32 to vector<16xf32>
        %select_n3A_429 = arith.select %lt3A, %broadcast_in_dim3A_426, %broadcast_in_dim3A_428 : vector<16xi1>, vector<16xf32>
        %mul3A_430 = arith.mulf %select_n3A_429, %add3A_343 : vector<16xf32>
        %add3A_431 = arith.addf %select_n3A, %mul3A_430 : vector<16xf32>
        %mul3A_432 = arith.mulf %add3A_431, %mul3A_379 : vector<16xf32>
        %mul3A_433 = arith.mulf %mul3A_432, %min3A : vector<16xf32>
        %add3A_434 = arith.constant 0 : i32
        %add3A_435 = vector.broadcast %add3A_434 : i32 to vector<16xi32>
        %add3A_436 = arith.addi %mul3A_7, %add3A_435 : vector<16xi32>
        %mul3A_437 = arith.mulf %mul3A_432, %gather3A_199 : vector<16xf32>
        %mul3A_438 = arith.mulf %mul3A_433, %gather3A : vector<16xf32>
        %sub3A_439 = arith.subf %mul3A_437, %mul3A_438 : vector<16xf32>
        tpu.vector_store_idx %arg14[%add3A_187, %add3A_436], %sub3A_439 : memref<40x128xf32, #tpu.memory_space<vmem>>[vector<16xi32>, vector<16xi32>], vector<16xf32>,
        %add3A_440 = arith.constant 1 : i32
        %add3A_441 = vector.broadcast %add3A_440 : i32 to vector<16xi32>
        %add3A_442 = arith.addi %mul3A_7, %add3A_441 : vector<16xi32>
        %mul3A_443 = arith.mulf %mul3A_432, %gather3A_206 : vector<16xf32>
        %mul3A_444 = arith.mulf %mul3A_433, %gather3A_205 : vector<16xf32>
        %sub3A_445 = arith.subf %mul3A_443, %mul3A_444 : vector<16xf32>
        tpu.vector_store_idx %arg14[%add3A_187, %add3A_442], %sub3A_445 : memref<40x128xf32, #tpu.memory_space<vmem>>[vector<16xi32>, vector<16xi32>], vector<16xf32>,
        %add3A_446 = arith.constant 2 : i32
        %add3A_447 = vector.broadcast %add3A_446 : i32 to vector<16xi32>
        %add3A_448 = arith.addi %mul3A_7, %add3A_447 : vector<16xi32>
        %mul3A_449 = arith.mulf %mul3A_432, %gather3A_213 : vector<16xf32>
        %mul3A_450 = arith.mulf %mul3A_433, %gather3A_212 : vector<16xf32>
        %sub3A_451 = arith.subf %mul3A_449, %mul3A_450 : vector<16xf32>
        tpu.vector_store_idx %arg14[%add3A_187, %add3A_448], %sub3A_451 : memref<40x128xf32, #tpu.memory_space<vmem>>[vector<16xi32>, vector<16xi32>], vector<16xf32>,
        %add3A_452 = arith.constant 3 : i32
        %add3A_453 = vector.broadcast %add3A_452 : i32 to vector<16xi32>
        %add3A_454 = arith.addi %mul3A_7, %add3A_453 : vector<16xi32>
        %mul3A_455 = arith.mulf %mul3A_432, %gather3A_220 : vector<16xf32>
        %mul3A_456 = arith.mulf %mul3A_433, %gather3A_219 : vector<16xf32>
        %sub3A_457 = arith.subf %mul3A_455, %mul3A_456 : vector<16xf32>
        tpu.vector_store_idx %arg14[%add3A_187, %add3A_454], %sub3A_457 : memref<40x128xf32, #tpu.memory_space<vmem>>[vector<16xi32>, vector<16xi32>], vector<16xf32>,
        %add3A_458 = arith.constant 4 : i32
        %add3A_459 = vector.broadcast %add3A_458 : i32 to vector<16xi32>
        %add3A_460 = arith.addi %mul3A_7, %add3A_459 : vector<16xi32>
        %mul3A_461 = arith.mulf %mul3A_432, %gather3A_227 : vector<16xf32>
        %mul3A_462 = arith.mulf %mul3A_433, %gather3A_226 : vector<16xf32>
        %sub3A_463 = arith.subf %mul3A_461, %mul3A_462 : vector<16xf32>
        tpu.vector_store_idx %arg14[%add3A_187, %add3A_460], %sub3A_463 : memref<40x128xf32, #tpu.memory_space<vmem>>[vector<16xi32>, vector<16xi32>], vector<16xf32>,
        %add3A_464 = arith.constant 5 : i32
        %add3A_465 = vector.broadcast %add3A_464 : i32 to vector<16xi32>
        %add3A_466 = arith.addi %mul3A_7, %add3A_465 : vector<16xi32>
        %mul3A_467 = arith.mulf %mul3A_432, %gather3A_234 : vector<16xf32>
        %mul3A_468 = arith.mulf %mul3A_433, %gather3A_233 : vector<16xf32>
        %sub3A_469 = arith.subf %mul3A_467, %mul3A_468 : vector<16xf32>
        tpu.vector_store_idx %arg14[%add3A_187, %add3A_466], %sub3A_469 : memref<40x128xf32, #tpu.memory_space<vmem>>[vector<16xi32>, vector<16xi32>], vector<16xf32>,
        %add3A_470 = arith.constant 6 : i32
        %add3A_471 = vector.broadcast %add3A_470 : i32 to vector<16xi32>
        %add3A_472 = arith.addi %mul3A_7, %add3A_471 : vector<16xi32>
        %mul3A_473 = arith.mulf %mul3A_432, %gather3A_241 : vector<16xf32>
        %mul3A_474 = arith.mulf %mul3A_433, %gather3A_240 : vector<16xf32>
        %sub3A_475 = arith.subf %mul3A_473, %mul3A_474 : vector<16xf32>
        tpu.vector_store_idx %arg14[%add3A_187, %add3A_472], %sub3A_475 : memref<40x128xf32, #tpu.memory_space<vmem>>[vector<16xi32>, vector<16xi32>], vector<16xf32>,
        %add3A_476 = arith.constant 7 : i32
        %add3A_477 = vector.broadcast %add3A_476 : i32 to vector<16xi32>
        %add3A_478 = arith.addi %mul3A_7, %add3A_477 : vector<16xi32>
        %mul3A_479 = arith.mulf %mul3A_432, %gather3A_248 : vector<16xf32>
        %mul3A_480 = arith.mulf %mul3A_433, %gather3A_247 : vector<16xf32>
        %sub3A_481 = arith.subf %mul3A_479, %mul3A_480 : vector<16xf32>
        tpu.vector_store_idx %arg14[%add3A_187, %add3A_478], %sub3A_481 : memref<40x128xf32, #tpu.memory_space<vmem>>[vector<16xi32>, vector<16xi32>], vector<16xf32>,
        %add3A_482 = arith.constant 8 : i32
        %add3A_483 = vector.broadcast %add3A_482 : i32 to vector<16xi32>
        %add3A_484 = arith.addi %mul3A_7, %add3A_483 : vector<16xi32>
        %mul3A_485 = arith.mulf %mul3A_432, %gather3A_255 : vector<16xf32>
        %mul3A_486 = arith.mulf %mul3A_433, %gather3A_254 : vector<16xf32>
        %sub3A_487 = arith.subf %mul3A_485, %mul3A_486 : vector<16xf32>
        tpu.vector_store_idx %arg14[%add3A_187, %add3A_484], %sub3A_487 : memref<40x128xf32, #tpu.memory_space<vmem>>[vector<16xi32>, vector<16xi32>], vector<16xf32>,
        %add3A_488 = arith.constant 9 : i32
        %add3A_489 = vector.broadcast %add3A_488 : i32 to vector<16xi32>
        %add3A_490 = arith.addi %mul3A_7, %add3A_489 : vector<16xi32>
        %mul3A_491 = arith.mulf %mul3A_432, %gather3A_262 : vector<16xf32>
        %mul3A_492 = arith.mulf %mul3A_433, %gather3A_261 : vector<16xf32>
        %sub3A_493 = arith.subf %mul3A_491, %mul3A_492 : vector<16xf32>
        tpu.vector_store_idx %arg14[%add3A_187, %add3A_490], %sub3A_493 : memref<40x128xf32, #tpu.memory_space<vmem>>[vector<16xi32>, vector<16xi32>], vector<16xf32>,
        %add3A_494 = arith.constant 10 : i32
        %add3A_495 = vector.broadcast %add3A_494 : i32 to vector<16xi32>
        %add3A_496 = arith.addi %mul3A_7, %add3A_495 : vector<16xi32>
        %mul3A_497 = arith.mulf %mul3A_432, %gather3A_269 : vector<16xf32>
        %mul3A_498 = arith.mulf %mul3A_433, %gather3A_268 : vector<16xf32>
        %sub3A_499 = arith.subf %mul3A_497, %mul3A_498 : vector<16xf32>
        tpu.vector_store_idx %arg14[%add3A_187, %add3A_496], %sub3A_499 : memref<40x128xf32, #tpu.memory_space<vmem>>[vector<16xi32>, vector<16xi32>], vector<16xf32>,
        %add3A_500 = arith.constant 11 : i32
        %add3A_501 = vector.broadcast %add3A_500 : i32 to vector<16xi32>
        %add3A_502 = arith.addi %mul3A_7, %add3A_501 : vector<16xi32>
        %mul3A_503 = arith.mulf %mul3A_432, %gather3A_276 : vector<16xf32>
        %mul3A_504 = arith.mulf %mul3A_433, %gather3A_275 : vector<16xf32>
        %sub3A_505 = arith.subf %mul3A_503, %mul3A_504 : vector<16xf32>
        tpu.vector_store_idx %arg14[%add3A_187, %add3A_502], %sub3A_505 : memref<40x128xf32, #tpu.memory_space<vmem>>[vector<16xi32>, vector<16xi32>], vector<16xf32>,
        %add3A_506 = arith.constant 12 : i32
        %add3A_507 = vector.broadcast %add3A_506 : i32 to vector<16xi32>
        %add3A_508 = arith.addi %mul3A_7, %add3A_507 : vector<16xi32>
        %mul3A_509 = arith.mulf %mul3A_432, %gather3A_283 : vector<16xf32>
        %mul3A_510 = arith.mulf %mul3A_433, %gather3A_282 : vector<16xf32>
        %sub3A_511 = arith.subf %mul3A_509, %mul3A_510 : vector<16xf32>
        tpu.vector_store_idx %arg14[%add3A_187, %add3A_508], %sub3A_511 : memref<40x128xf32, #tpu.memory_space<vmem>>[vector<16xi32>, vector<16xi32>], vector<16xf32>,
        %add3A_512 = arith.constant 13 : i32
        %add3A_513 = vector.broadcast %add3A_512 : i32 to vector<16xi32>
        %add3A_514 = arith.addi %mul3A_7, %add3A_513 : vector<16xi32>
        %mul3A_515 = arith.mulf %mul3A_432, %gather3A_290 : vector<16xf32>
        %mul3A_516 = arith.mulf %mul3A_433, %gather3A_289 : vector<16xf32>
        %sub3A_517 = arith.subf %mul3A_515, %mul3A_516 : vector<16xf32>
        tpu.vector_store_idx %arg14[%add3A_187, %add3A_514], %sub3A_517 : memref<40x128xf32, #tpu.memory_space<vmem>>[vector<16xi32>, vector<16xi32>], vector<16xf32>,
        %add3A_518 = arith.constant 14 : i32
        %add3A_519 = vector.broadcast %add3A_518 : i32 to vector<16xi32>
        %add3A_520 = arith.addi %mul3A_7, %add3A_519 : vector<16xi32>
        %mul3A_521 = arith.mulf %mul3A_432, %gather3A_297 : vector<16xf32>
        %mul3A_522 = arith.mulf %mul3A_433, %gather3A_296 : vector<16xf32>
        %sub3A_523 = arith.subf %mul3A_521, %mul3A_522 : vector<16xf32>
        tpu.vector_store_idx %arg14[%add3A_187, %add3A_520], %sub3A_523 : memref<40x128xf32, #tpu.memory_space<vmem>>[vector<16xi32>, vector<16xi32>], vector<16xf32>,
        %add3A_524 = arith.constant 15 : i32
        %add3A_525 = vector.broadcast %add3A_524 : i32 to vector<16xi32>
        %add3A_526 = arith.addi %mul3A_7, %add3A_525 : vector<16xi32>
        %mul3A_527 = arith.mulf %mul3A_432, %gather3A_304 : vector<16xf32>
        %mul3A_528 = arith.mulf %mul3A_433, %gather3A_303 : vector<16xf32>
        %sub3A_529 = arith.subf %mul3A_527, %mul3A_528 : vector<16xf32>
        tpu.vector_store_idx %arg14[%add3A_187, %add3A_526], %sub3A_529 : memref<40x128xf32, #tpu.memory_space<vmem>>[vector<16xi32>, vector<16xi32>], vector<16xf32>,
        %scan3A_530 = arith.constant 0 : i32
        scf.yield %scan3A_530 : i32
      }
      %scan3A_118 = arith.constant 20 : i32
      %dma_start3A_119 = arith.constant 0 : i32
      %dma_start3A_120 = arith.constant 0 : i32
      %dma_start3A_121 = tpu.memref_slice %arg5[%dma_start3A_119, %dma_start3A_120] : memref<10000x128xf32, #tpu.memory_space<vmem_shared>> -> memref<10000x128xf32, #tpu.memory_space<vmem_shared>>
      tpu.enqueue_indirect_dma source(%arg14 : memref<40x128xf32, #tpu.memory_space<vmem>>) target(%dma_start3A_121 : memref<10000x128xf32, #tpu.memory_space<vmem_shared>>) offsets(%arg8 : memref<40xi32, #tpu.memory_space<vmem>>) semaphore(%arg21 : memref<!tpu.dma_semaphore, #tpu.memory_space<semaphore_mem>>) {add = true}
      %mul3A_122 = arith.constant 2 : i32
      %mul3A_123 = arith.muli %scan3A_67, %mul3A_122 : i32
      %add3A_124 = arith.constant 1 : i32
      %add3A_125 = arith.addi %mul3A_123, %add3A_124 : i32
      %ge3A_126 = arith.constant 2 : i32
      %ge3A_127 = arith.cmpi sge, %add3A_125, %ge3A_126 : i32
      %convert_element_type3A_128 = arith.extui %ge3A_127 : i1 to i32
      %cond3A_129 = arith.constant 0 : i32
      %cond3A_130 = arith.cmpi ne, %convert_element_type3A_128, %cond3A_129 : i32
      scf.if %cond3A_130 {
        %dma_wait3A_182 = arith.constant 0 : i32
        %dma_wait3A_183 = arith.constant 0 : i32
        %dma_wait3A_184 = tpu.memref_slice %arg5[%dma_wait3A_182, %dma_wait3A_183] : memref<10000x128xf32, #tpu.memory_space<vmem_shared>> -> memref<10000x128xf32, #tpu.memory_space<vmem_shared>>
        tpu.wait_indirect_dma semaphore(%arg22 : memref<!tpu.dma_semaphore, #tpu.memory_space<semaphore_mem>>) src(%arg15 : memref<40x128xf32, #tpu.memory_space<vmem>>) dst(%dma_wait3A_184 : memref<10000x128xf32, #tpu.memory_space<vmem_shared>>)
      } else {
      }
      %le3A_131 = arith.constant 248 : i32
      %le3A_132 = arith.cmpi sle, %add3A_125, %le3A_131 : i32
      %convert_element_type3A_133 = arith.extui %le3A_132 : i1 to i32
      %cond3A_134 = arith.constant 0 : i32
      %cond3A_135 = arith.cmpi ne, %convert_element_type3A_133, %cond3A_134 : i32
      scf.if %cond3A_135 {
        %dma_wait3A_182 = arith.constant 0 : i32
        %dma_wait3A_183 = arith.constant 0 : i32
        %dma_wait3A_184 = arith.constant 0 : i32
        %dma_wait3A_185 = tpu.memref_slice %arg3[%dma_wait3A_182, %dma_wait3A_183, %dma_wait3A_184] : memref<8000x2x40xi32, #tpu.memory_space<hbm>> -> memref<1x2x40xi32, #tpu.memory_space<hbm>>
        %dma_wait3A_186 = tpu.memref_squeeze %dma_wait3A_185 : memref<1x2x40xi32, #tpu.memory_space<hbm>> -> memref<2x40xi32, #tpu.memory_space<hbm>>
        %dma_wait3A_187 = arith.constant 0 : i32
        %dma_wait3A_188 = arith.constant 0 : i32
        %dma_wait3A_189 = tpu.memref_slice %arg3[%dma_wait3A_182, %dma_wait3A_187, %dma_wait3A_188] : memref<8000x2x40xi32, #tpu.memory_space<hbm>> -> memref<1x2x40xi32, #tpu.memory_space<hbm>>
        %dma_wait3A_190 = tpu.memref_squeeze %dma_wait3A_189 : memref<1x2x40xi32, #tpu.memory_space<hbm>> -> memref<2x40xi32, #tpu.memory_space<hbm>>
        tpu.wait_dma2 semaphore(%arg19 : memref<!tpu.dma_semaphore, #tpu.memory_space<semaphore_mem>>) src(%dma_wait3A_190 : memref<2x40xi32, #tpu.memory_space<hbm>>) dst(%arg6 : memref<2x40xi32, #tpu.memory_space<vmem>>)
        %dma_start3A_191 = arith.constant 0 : i32
        %dma_start3A_192 = arith.constant 0 : i32
        %dma_start3A_193 = tpu.memref_slice %arg6[%dma_start3A_191, %dma_start3A_192] : memref<2x40xi32, #tpu.memory_space<vmem>> -> memref<1x40xi32, #tpu.memory_space<vmem>>
        %dma_start3A_194 = tpu.memref_squeeze %dma_start3A_193 : memref<1x40xi32, #tpu.memory_space<vmem>> -> memref<40xi32, #tpu.memory_space<vmem>>
        %dma_start3A_195 = arith.constant 0 : i32
        %dma_start3A_196 = arith.constant 0 : i32
        %dma_start3A_197 = tpu.memref_slice %arg2[%dma_start3A_195, %dma_start3A_196] : memref<10000x128xf32, #tpu.memory_space<hbm>> -> memref<10000x128xf32, #tpu.memory_space<hbm>>
        tpu.enqueue_indirect_dma source(%dma_start3A_197 : memref<10000x128xf32, #tpu.memory_space<hbm>>) target(%arg10 : memref<40x128xf32, #tpu.memory_space<vmem>>) offsets(%dma_start3A_194 : memref<40xi32, #tpu.memory_space<vmem>>) semaphore(%arg17 : memref<!tpu.dma_semaphore, #tpu.memory_space<semaphore_mem>>)
        %dma_start3A_198 = arith.constant 1 : i32
        %dma_start3A_199 = arith.constant 0 : i32
        %dma_start3A_200 = tpu.memref_slice %arg6[%dma_start3A_198, %dma_start3A_199] : memref<2x40xi32, #tpu.memory_space<vmem>> -> memref<1x40xi32, #tpu.memory_space<vmem>>
        %dma_start3A_201 = tpu.memref_squeeze %dma_start3A_200 : memref<1x40xi32, #tpu.memory_space<vmem>> -> memref<40xi32, #tpu.memory_space<vmem>>
        %dma_start3A_202 = arith.constant 0 : i32
        %dma_start3A_203 = arith.constant 0 : i32
        %dma_start3A_204 = tpu.memref_slice %arg2[%dma_start3A_202, %dma_start3A_203] : memref<10000x128xf32, #tpu.memory_space<hbm>> -> memref<10000x128xf32, #tpu.memory_space<hbm>>
        tpu.enqueue_indirect_dma source(%dma_start3A_204 : memref<10000x128xf32, #tpu.memory_space<hbm>>) target(%arg12 : memref<40x128xf32, #tpu.memory_space<vmem>>) offsets(%dma_start3A_201 : memref<40xi32, #tpu.memory_space<vmem>>) semaphore(%arg17 : memref<!tpu.dma_semaphore, #tpu.memory_space<semaphore_mem>>)
      } else {
      }
      %dma_wait3A_136 = arith.constant 0 : i32
      %dma_wait3A_137 = arith.constant 0 : i32
      %dma_wait3A_138 = tpu.memref_slice %arg2[%dma_wait3A_136, %dma_wait3A_137] : memref<10000x128xf32, #tpu.memory_space<hbm>> -> memref<40x128xf32, #tpu.memory_space<hbm>>
      %dma_wait3A_139 = arith.constant 0 : i32
      %dma_wait3A_140 = arith.constant 0 : i32
      %dma_wait3A_141 = tpu.memref_slice %arg2[%dma_wait3A_139, %dma_wait3A_140] : memref<10000x128xf32, #tpu.memory_space<hbm>> -> memref<40x128xf32, #tpu.memory_space<hbm>>
      tpu.wait_dma2 semaphore(%arg18 : memref<!tpu.dma_semaphore, #tpu.memory_space<semaphore_mem>>) src(%dma_wait3A_141 : memref<40x128xf32, #tpu.memory_space<hbm>>) dst(%arg11 : memref<40x128xf32, #tpu.memory_space<vmem>>)
      %dma_wait3A_142 = arith.constant 0 : i32
      %dma_wait3A_143 = arith.constant 0 : i32
      %dma_wait3A_144 = tpu.memref_slice %arg2[%dma_wait3A_142, %dma_wait3A_143] : memref<10000x128xf32, #tpu.memory_space<hbm>> -> memref<40x128xf32, #tpu.memory_space<hbm>>
      %dma_wait3A_145 = arith.constant 0 : i32
      %dma_wait3A_146 = arith.constant 0 : i32
      %dma_wait3A_147 = tpu.memref_slice %arg2[%dma_wait3A_145, %dma_wait3A_146] : memref<10000x128xf32, #tpu.memory_space<hbm>> -> memref<40x128xf32, #tpu.memory_space<hbm>>
      tpu.wait_dma2 semaphore(%arg18 : memref<!tpu.dma_semaphore, #tpu.memory_space<semaphore_mem>>) src(%dma_wait3A_147 : memref<40x128xf32, #tpu.memory_space<hbm>>) dst(%arg13 : memref<40x128xf32, #tpu.memory_space<vmem>>)
      %get3A_148 = arith.constant 1 : i32
      %get3A_149 = arith.index_cast %get3A_148 : i32 to index
      %get3A_150 = arith.constant 0 : index
      %get3A_151 = tpu.vector_load %arg7[%get3A_149, %get3A_150] {strides = array<i32>} : memref<2x40xi32, #tpu.memory_space<vmem>>, vector<16xi32>,
      %swap3A_152 = arith.constant 0 : index
      %swap3A_153 = tpu.vector_load %arg9[%swap3A_152] {strides = array<i32>} : memref<40xi32, #tpu.memory_space<vmem>>, vector<16xi32>,
      tpu.vector_store %arg9[%swap3A_152], %get3A_151 {strides = array<i32>} : memref<40xi32, #tpu.memory_space<vmem>>, vector<16xi32>,
      %get3A_154 = arith.constant 1 : i32
      %get3A_155 = arith.index_cast %get3A_154 : i32 to index
      %get3A_156 = arith.constant 16 : index
      %get3A_157 = tpu.vector_load %arg7[%get3A_155, %get3A_156] {strides = array<i32>} : memref<2x40xi32, #tpu.memory_space<vmem>>, vector<16xi32>,
      %swap3A_158 = arith.constant 16 : index
      %swap3A_159 = tpu.vector_load %arg9[%swap3A_158] {strides = array<i32>} : memref<40xi32, #tpu.memory_space<vmem>>, vector<16xi32>,
      tpu.vector_store %arg9[%swap3A_158], %get3A_157 {strides = array<i32>} : memref<40xi32, #tpu.memory_space<vmem>>, vector<16xi32>,
      %get3A_160 = arith.constant 1 : i32
      %get3A_161 = arith.index_cast %get3A_160 : i32 to index
      %get3A_162 = arith.constant 24 : index
      %get3A_163 = tpu.vector_load %arg7[%get3A_161, %get3A_162] {strides = array<i32>} : memref<2x40xi32, #tpu.memory_space<vmem>>, vector<16xi32>,
      %swap3A_164 = arith.constant 24 : index
      %swap3A_165 = tpu.vector_load %arg9[%swap3A_164] {strides = array<i32>} : memref<40xi32, #tpu.memory_space<vmem>>, vector<16xi32>,
      tpu.vector_store %arg9[%swap3A_164], %get3A_163 {strides = array<i32>} : memref<40xi32, #tpu.memory_space<vmem>>, vector<16xi32>,
      %le3A_166 = arith.constant 247 : i32
      %le3A_167 = arith.cmpi sle, %add3A_125, %le3A_166 : i32
      %convert_element_type3A_168 = arith.extui %le3A_167 : i1 to i32
      %cond3A_169 = arith.constant 0 : i32
      %cond3A_170 = arith.cmpi ne, %convert_element_type3A_168, %cond3A_169 : i32
      scf.if %cond3A_170 {
        %add3A_182 = arith.addi %mul3A_23, %add3A_125 : i32
        %add3A_183 = arith.constant 2 : i32
        %add3A_184 = arith.addi %add3A_182, %add3A_183 : i32
        %dma_start3A_185 = arith.constant 0 : i32
        %dma_start3A_186 = arith.constant 0 : i32
        %dma_start3A_187 = tpu.memref_slice %arg3[%add3A_184, %dma_start3A_185, %dma_start3A_186] : memref<8000x2x40xi32, #tpu.memory_space<hbm>> -> memref<1x2x40xi32, #tpu.memory_space<hbm>>
        %dma_start3A_188 = tpu.memref_squeeze %dma_start3A_187 : memref<1x2x40xi32, #tpu.memory_space<hbm>> -> memref<2x40xi32, #tpu.memory_space<hbm>>
        %dma_start3A_189 = arith.constant 0 : i32
        %dma_start3A_190 = arith.constant 0 : i32
        %dma_start3A_191 = tpu.memref_slice %arg3[%add3A_184, %dma_start3A_189, %dma_start3A_190] : memref<8000x2x40xi32, #tpu.memory_space<hbm>> -> memref<1x2x40xi32, #tpu.memory_space<hbm>>
        %dma_start3A_192 = tpu.memref_squeeze %dma_start3A_191 : memref<1x2x40xi32, #tpu.memory_space<hbm>> -> memref<2x40xi32, #tpu.memory_space<hbm>>
        tpu.enqueue_dma source(%dma_start3A_192 : memref<2x40xi32, #tpu.memory_space<hbm>>) target(%arg7 : memref<2x40xi32, #tpu.memory_space<vmem>>) target_semaphore(%arg20 : memref<!tpu.dma_semaphore, #tpu.memory_space<semaphore_mem>>)
      } else {
      }
      %scan3A_171 = arith.constant 0 : i32
      %scan3A_172 = arith.constant 0 : i32
      %scan3A_173 = arith.constant 20 : i32
      %scan3A_174 = arith.addi %scan3A_172, %scan3A_173 : i32
      %scan3A_175 = arith.constant 1 : i32
      %scan3A_176 = scf.for %scan3A_182 = %scan3A_172 to %scan3A_174 step %scan3A_175 iter_args(%scan3A_183 = %scan3A_171) -> (i32)  : i32 {
        %mul3A_184 = arith.constant 2 : i32
        %mul3A_185 = arith.muli %scan3A_182, %mul3A_184 : i32
        %add3A_186 = vector.broadcast %mul3A_185 : i32 to vector<16xi32>
        %add3A_187 = arith.addi %add3A_186, %shift_right_arithmetic3A_2 : vector<16xi32>
        %broadcast_in_dim3A_188 = arith.constant 0.000000e+00 : f32
        %broadcast_in_dim3A_189 = vector.broadcast %broadcast_in_dim3A_188 : f32 to vector<16xf32>
        %broadcast_in_dim3A_190 = arith.constant 0.000000e+00 : f32
        %broadcast_in_dim3A_191 = vector.broadcast %broadcast_in_dim3A_190 : f32 to vector<16xf32>
        %broadcast_in_dim3A_192 = arith.constant 0.000000e+00 : f32
        %broadcast_in_dim3A_193 = vector.broadcast %broadcast_in_dim3A_192 : f32 to vector<16xf32>
        %broadcast_in_dim3A_194 = arith.constant 0.000000e+00 : f32
        %broadcast_in_dim3A_195 = vector.broadcast %broadcast_in_dim3A_194 : f32 to vector<16xf32>
        %add3A_196 = arith.constant 0 : i32
        %add3A_197 = vector.broadcast %add3A_196 : i32 to vector<16xi32>
        %add3A_198 = arith.addi %mul3A_7, %add3A_197 : vector<16xi32>
        %gather3A = tpu.vector_load_idx %arg13[%add3A_187, %add3A_198] : memref<40x128xf32, #tpu.memory_space<vmem>>[vector<16xi32>, vector<16xi32>], vector<16xf32>,
        %gather3A_199 = tpu.vector_load_idx %arg11[%add3A_187, %add3A_198] : memref<40x128xf32, #tpu.memory_space<vmem>>[vector<16xi32>, vector<16xi32>], vector<16xf32>,
        %mul3A_200 = arith.mulf %gather3A, %gather3A_199 : vector<16xf32>
        %add3A_201 = arith.addf %broadcast_in_dim3A_189, %mul3A_200 : vector<16xf32>
        %add3A_202 = arith.constant 1 : i32
        %add3A_203 = vector.broadcast %add3A_202 : i32 to vector<16xi32>
        %add3A_204 = arith.addi %mul3A_7, %add3A_203 : vector<16xi32>
        %gather3A_205 = tpu.vector_load_idx %arg13[%add3A_187, %add3A_204] : memref<40x128xf32, #tpu.memory_space<vmem>>[vector<16xi32>, vector<16xi32>], vector<16xf32>,
        %gather3A_206 = tpu.vector_load_idx %arg11[%add3A_187, %add3A_204] : memref<40x128xf32, #tpu.memory_space<vmem>>[vector<16xi32>, vector<16xi32>], vector<16xf32>,
        %mul3A_207 = arith.mulf %gather3A_205, %gather3A_206 : vector<16xf32>
        %add3A_208 = arith.addf %broadcast_in_dim3A_191, %mul3A_207 : vector<16xf32>
        %add3A_209 = arith.constant 2 : i32
        %add3A_210 = vector.broadcast %add3A_209 : i32 to vector<16xi32>
        %add3A_211 = arith.addi %mul3A_7, %add3A_210 : vector<16xi32>
        %gather3A_212 = tpu.vector_load_idx %arg13[%add3A_187, %add3A_211] : memref<40x128xf32, #tpu.memory_space<vmem>>[vector<16xi32>, vector<16xi32>], vector<16xf32>,
        %gather3A_213 = tpu.vector_load_idx %arg11[%add3A_187, %add3A_211] : memref<40x128xf32, #tpu.memory_space<vmem>>[vector<16xi32>, vector<16xi32>], vector<16xf32>,
        %mul3A_214 = arith.mulf %gather3A_212, %gather3A_213 : vector<16xf32>
        %add3A_215 = arith.addf %broadcast_in_dim3A_193, %mul3A_214 : vector<16xf32>
        %add3A_216 = arith.constant 3 : i32
        %add3A_217 = vector.broadcast %add3A_216 : i32 to vector<16xi32>
        %add3A_218 = arith.addi %mul3A_7, %add3A_217 : vector<16xi32>
        %gather3A_219 = tpu.vector_load_idx %arg13[%add3A_187, %add3A_218] : memref<40x128xf32, #tpu.memory_space<vmem>>[vector<16xi32>, vector<16xi32>], vector<16xf32>,
        %gather3A_220 = tpu.vector_load_idx %arg11[%add3A_187, %add3A_218] : memref<40x128xf32, #tpu.memory_space<vmem>>[vector<16xi32>, vector<16xi32>], vector<16xf32>,
        %mul3A_221 = arith.mulf %gather3A_219, %gather3A_220 : vector<16xf32>
        %add3A_222 = arith.addf %broadcast_in_dim3A_195, %mul3A_221 : vector<16xf32>
        %add3A_223 = arith.constant 4 : i32
        %add3A_224 = vector.broadcast %add3A_223 : i32 to vector<16xi32>
        %add3A_225 = arith.addi %mul3A_7, %add3A_224 : vector<16xi32>
        %gather3A_226 = tpu.vector_load_idx %arg13[%add3A_187, %add3A_225] : memref<40x128xf32, #tpu.memory_space<vmem>>[vector<16xi32>, vector<16xi32>], vector<16xf32>,
        %gather3A_227 = tpu.vector_load_idx %arg11[%add3A_187, %add3A_225] : memref<40x128xf32, #tpu.memory_space<vmem>>[vector<16xi32>, vector<16xi32>], vector<16xf32>,
        %mul3A_228 = arith.mulf %gather3A_226, %gather3A_227 : vector<16xf32>
        %add3A_229 = arith.addf %add3A_201, %mul3A_228 : vector<16xf32>
        %add3A_230 = arith.constant 5 : i32
        %add3A_231 = vector.broadcast %add3A_230 : i32 to vector<16xi32>
        %add3A_232 = arith.addi %mul3A_7, %add3A_231 : vector<16xi32>
        %gather3A_233 = tpu.vector_load_idx %arg13[%add3A_187, %add3A_232] : memref<40x128xf32, #tpu.memory_space<vmem>>[vector<16xi32>, vector<16xi32>], vector<16xf32>,
        %gather3A_234 = tpu.vector_load_idx %arg11[%add3A_187, %add3A_232] : memref<40x128xf32, #tpu.memory_space<vmem>>[vector<16xi32>, vector<16xi32>], vector<16xf32>,
        %mul3A_235 = arith.mulf %gather3A_233, %gather3A_234 : vector<16xf32>
        %add3A_236 = arith.addf %add3A_208, %mul3A_235 : vector<16xf32>
        %add3A_237 = arith.constant 6 : i32
        %add3A_238 = vector.broadcast %add3A_237 : i32 to vector<16xi32>
        %add3A_239 = arith.addi %mul3A_7, %add3A_238 : vector<16xi32>
        %gather3A_240 = tpu.vector_load_idx %arg13[%add3A_187, %add3A_239] : memref<40x128xf32, #tpu.memory_space<vmem>>[vector<16xi32>, vector<16xi32>], vector<16xf32>,
        %gather3A_241 = tpu.vector_load_idx %arg11[%add3A_187, %add3A_239] : memref<40x128xf32, #tpu.memory_space<vmem>>[vector<16xi32>, vector<16xi32>], vector<16xf32>,
        %mul3A_242 = arith.mulf %gather3A_240, %gather3A_241 : vector<16xf32>
        %add3A_243 = arith.addf %add3A_215, %mul3A_242 : vector<16xf32>
        %add3A_244 = arith.constant 7 : i32
        %add3A_245 = vector.broadcast %add3A_244 : i32 to vector<16xi32>
        %add3A_246 = arith.addi %mul3A_7, %add3A_245 : vector<16xi32>
        %gather3A_247 = tpu.vector_load_idx %arg13[%add3A_187, %add3A_246] : memref<40x128xf32, #tpu.memory_space<vmem>>[vector<16xi32>, vector<16xi32>], vector<16xf32>,
        %gather3A_248 = tpu.vector_load_idx %arg11[%add3A_187, %add3A_246] : memref<40x128xf32, #tpu.memory_space<vmem>>[vector<16xi32>, vector<16xi32>], vector<16xf32>,
        %mul3A_249 = arith.mulf %gather3A_247, %gather3A_248 : vector<16xf32>
        %add3A_250 = arith.addf %add3A_222, %mul3A_249 : vector<16xf32>
        %add3A_251 = arith.constant 8 : i32
        %add3A_252 = vector.broadcast %add3A_251 : i32 to vector<16xi32>
        %add3A_253 = arith.addi %mul3A_7, %add3A_252 : vector<16xi32>
        %gather3A_254 = tpu.vector_load_idx %arg13[%add3A_187, %add3A_253] : memref<40x128xf32, #tpu.memory_space<vmem>>[vector<16xi32>, vector<16xi32>], vector<16xf32>,
        %gather3A_255 = tpu.vector_load_idx %arg11[%add3A_187, %add3A_253] : memref<40x128xf32, #tpu.memory_space<vmem>>[vector<16xi32>, vector<16xi32>], vector<16xf32>,
        %mul3A_256 = arith.mulf %gather3A_254, %gather3A_255 : vector<16xf32>
        %add3A_257 = arith.addf %add3A_229, %mul3A_256 : vector<16xf32>
        %add3A_258 = arith.constant 9 : i32
        %add3A_259 = vector.broadcast %add3A_258 : i32 to vector<16xi32>
        %add3A_260 = arith.addi %mul3A_7, %add3A_259 : vector<16xi32>
        %gather3A_261 = tpu.vector_load_idx %arg13[%add3A_187, %add3A_260] : memref<40x128xf32, #tpu.memory_space<vmem>>[vector<16xi32>, vector<16xi32>], vector<16xf32>,
        %gather3A_262 = tpu.vector_load_idx %arg11[%add3A_187, %add3A_260] : memref<40x128xf32, #tpu.memory_space<vmem>>[vector<16xi32>, vector<16xi32>], vector<16xf32>,
        %mul3A_263 = arith.mulf %gather3A_261, %gather3A_262 : vector<16xf32>
        %add3A_264 = arith.addf %add3A_236, %mul3A_263 : vector<16xf32>
        %add3A_265 = arith.constant 10 : i32
        %add3A_266 = vector.broadcast %add3A_265 : i32 to vector<16xi32>
        %add3A_267 = arith.addi %mul3A_7, %add3A_266 : vector<16xi32>
        %gather3A_268 = tpu.vector_load_idx %arg13[%add3A_187, %add3A_267] : memref<40x128xf32, #tpu.memory_space<vmem>>[vector<16xi32>, vector<16xi32>], vector<16xf32>,
        %gather3A_269 = tpu.vector_load_idx %arg11[%add3A_187, %add3A_267] : memref<40x128xf32, #tpu.memory_space<vmem>>[vector<16xi32>, vector<16xi32>], vector<16xf32>,
        %mul3A_270 = arith.mulf %gather3A_268, %gather3A_269 : vector<16xf32>
        %add3A_271 = arith.addf %add3A_243, %mul3A_270 : vector<16xf32>
        %add3A_272 = arith.constant 11 : i32
        %add3A_273 = vector.broadcast %add3A_272 : i32 to vector<16xi32>
        %add3A_274 = arith.addi %mul3A_7, %add3A_273 : vector<16xi32>
        %gather3A_275 = tpu.vector_load_idx %arg13[%add3A_187, %add3A_274] : memref<40x128xf32, #tpu.memory_space<vmem>>[vector<16xi32>, vector<16xi32>], vector<16xf32>,
        %gather3A_276 = tpu.vector_load_idx %arg11[%add3A_187, %add3A_274] : memref<40x128xf32, #tpu.memory_space<vmem>>[vector<16xi32>, vector<16xi32>], vector<16xf32>,
        %mul3A_277 = arith.mulf %gather3A_275, %gather3A_276 : vector<16xf32>
        %add3A_278 = arith.addf %add3A_250, %mul3A_277 : vector<16xf32>
        %add3A_279 = arith.constant 12 : i32
        %add3A_280 = vector.broadcast %add3A_279 : i32 to vector<16xi32>
        %add3A_281 = arith.addi %mul3A_7, %add3A_280 : vector<16xi32>
        %gather3A_282 = tpu.vector_load_idx %arg13[%add3A_187, %add3A_281] : memref<40x128xf32, #tpu.memory_space<vmem>>[vector<16xi32>, vector<16xi32>], vector<16xf32>,
        %gather3A_283 = tpu.vector_load_idx %arg11[%add3A_187, %add3A_281] : memref<40x128xf32, #tpu.memory_space<vmem>>[vector<16xi32>, vector<16xi32>], vector<16xf32>,
        %mul3A_284 = arith.mulf %gather3A_282, %gather3A_283 : vector<16xf32>
        %add3A_285 = arith.addf %add3A_257, %mul3A_284 : vector<16xf32>
        %add3A_286 = arith.constant 13 : i32
        %add3A_287 = vector.broadcast %add3A_286 : i32 to vector<16xi32>
        %add3A_288 = arith.addi %mul3A_7, %add3A_287 : vector<16xi32>
        %gather3A_289 = tpu.vector_load_idx %arg13[%add3A_187, %add3A_288] : memref<40x128xf32, #tpu.memory_space<vmem>>[vector<16xi32>, vector<16xi32>], vector<16xf32>,
        %gather3A_290 = tpu.vector_load_idx %arg11[%add3A_187, %add3A_288] : memref<40x128xf32, #tpu.memory_space<vmem>>[vector<16xi32>, vector<16xi32>], vector<16xf32>,
        %mul3A_291 = arith.mulf %gather3A_289, %gather3A_290 : vector<16xf32>
        %add3A_292 = arith.addf %add3A_264, %mul3A_291 : vector<16xf32>
        %add3A_293 = arith.constant 14 : i32
        %add3A_294 = vector.broadcast %add3A_293 : i32 to vector<16xi32>
        %add3A_295 = arith.addi %mul3A_7, %add3A_294 : vector<16xi32>
        %gather3A_296 = tpu.vector_load_idx %arg13[%add3A_187, %add3A_295] : memref<40x128xf32, #tpu.memory_space<vmem>>[vector<16xi32>, vector<16xi32>], vector<16xf32>,
        %gather3A_297 = tpu.vector_load_idx %arg11[%add3A_187, %add3A_295] : memref<40x128xf32, #tpu.memory_space<vmem>>[vector<16xi32>, vector<16xi32>], vector<16xf32>,
        %mul3A_298 = arith.mulf %gather3A_296, %gather3A_297 : vector<16xf32>
        %add3A_299 = arith.addf %add3A_271, %mul3A_298 : vector<16xf32>
        %add3A_300 = arith.constant 15 : i32
        %add3A_301 = vector.broadcast %add3A_300 : i32 to vector<16xi32>
        %add3A_302 = arith.addi %mul3A_7, %add3A_301 : vector<16xi32>
        %gather3A_303 = tpu.vector_load_idx %arg13[%add3A_187, %add3A_302] : memref<40x128xf32, #tpu.memory_space<vmem>>[vector<16xi32>, vector<16xi32>], vector<16xf32>,
        %gather3A_304 = tpu.vector_load_idx %arg11[%add3A_187, %add3A_302] : memref<40x128xf32, #tpu.memory_space<vmem>>[vector<16xi32>, vector<16xi32>], vector<16xf32>,
        %mul3A_305 = arith.mulf %gather3A_303, %gather3A_304 : vector<16xf32>
        %add3A_306 = arith.addf %add3A_278, %mul3A_305 : vector<16xf32>
        %add3A_307 = arith.addf %add3A_285, %add3A_292 : vector<16xf32>
        %add3A_308 = arith.addf %add3A_299, %add3A_306 : vector<16xf32>
        %add3A_309 = arith.addf %add3A_307, %add3A_308 : vector<16xf32>
        %broadcast_in_dim3A_310 = arith.constant -0.99999988 : f32
        %broadcast_in_dim3A_311 = vector.broadcast %broadcast_in_dim3A_310 : f32 to vector<16xf32>
        %max3A = arith.maximumf %add3A_309, %broadcast_in_dim3A_311 : vector<16xf32>
        %broadcast_in_dim3A_312 = arith.constant 0.99999988 : f32
        %broadcast_in_dim3A_313 = vector.broadcast %broadcast_in_dim3A_312 : f32 to vector<16xf32>
        %min3A = arith.minimumf %max3A, %broadcast_in_dim3A_313 : vector<16xf32>
        %abs3A = math.absf %min3A : vector<16xf32>
        %broadcast_in_dim3A_314 = arith.constant -0.0012624911 : f32
        %broadcast_in_dim3A_315 = vector.broadcast %broadcast_in_dim3A_314 : f32 to vector<16xf32>
        %mul3A_316 = arith.mulf %broadcast_in_dim3A_315, %abs3A : vector<16xf32>
        %broadcast_in_dim3A_317 = arith.constant 6.670090e-03 : f32
        %broadcast_in_dim3A_318 = vector.broadcast %broadcast_in_dim3A_317 : f32 to vector<16xf32>
        %add3A_319 = arith.addf %mul3A_316, %broadcast_in_dim3A_318 : vector<16xf32>
        %mul3A_320 = arith.mulf %add3A_319, %abs3A : vector<16xf32>
        %broadcast_in_dim3A_321 = arith.constant -0.0170881264 : f32
        %broadcast_in_dim3A_322 = vector.broadcast %broadcast_in_dim3A_321 : f32 to vector<16xf32>
        %add3A_323 = arith.addf %mul3A_320, %broadcast_in_dim3A_322 : vector<16xf32>
        %mul3A_324 = arith.mulf %add3A_323, %abs3A : vector<16xf32>
        %broadcast_in_dim3A_325 = arith.constant 0.0308918804 : f32
        %broadcast_in_dim3A_326 = vector.broadcast %broadcast_in_dim3A_325 : f32 to vector<16xf32>
        %add3A_327 = arith.addf %mul3A_324, %broadcast_in_dim3A_326 : vector<16xf32>
        %mul3A_328 = arith.mulf %add3A_327, %abs3A : vector<16xf32>
        %broadcast_in_dim3A_329 = arith.constant -0.0501743034 : f32
        %broadcast_in_dim3A_330 = vector.broadcast %broadcast_in_dim3A_329 : f32 to vector<16xf32>
        %add3A_331 = arith.addf %mul3A_328, %broadcast_in_dim3A_330 : vector<16xf32>
        %mul3A_332 = arith.mulf %add3A_331, %abs3A : vector<16xf32>
        %broadcast_in_dim3A_333 = arith.constant 0.0889789909 : f32
        %broadcast_in_dim3A_334 = vector.broadcast %broadcast_in_dim3A_333 : f32 to vector<16xf32>
        %add3A_335 = arith.addf %mul3A_332, %broadcast_in_dim3A_334 : vector<16xf32>
        %mul3A_336 = arith.mulf %add3A_335, %abs3A : vector<16xf32>
        %broadcast_in_dim3A_337 = arith.constant -0.214598805 : f32
        %broadcast_in_dim3A_338 = vector.broadcast %broadcast_in_dim3A_337 : f32 to vector<16xf32>
        %add3A_339 = arith.addf %mul3A_336, %broadcast_in_dim3A_338 : vector<16xf32>
        %mul3A_340 = arith.mulf %add3A_339, %abs3A : vector<16xf32>
        %broadcast_in_dim3A_341 = arith.constant 1.57079625 : f32
        %broadcast_in_dim3A_342 = vector.broadcast %broadcast_in_dim3A_341 : f32 to vector<16xf32>
        %add3A_343 = arith.addf %mul3A_340, %broadcast_in_dim3A_342 : vector<16xf32>
        %broadcast_in_dim3A_344 = arith.constant 1.000000e+00 : f32
        %broadcast_in_dim3A_345 = vector.broadcast %broadcast_in_dim3A_344 : f32 to vector<16xf32>
        %add3A_346 = arith.addf %broadcast_in_dim3A_345, %abs3A : vector<16xf32>
        %bitcast_convert_type3A = tpu.bitcast %add3A_346 : vector<16xf32> -> vector<16xi32>
        %shift_right_arithmetic3A_347 = arith.constant 1 : i32
        %shift_right_arithmetic3A_348 = vector.broadcast %shift_right_arithmetic3A_347 : i32 to vector<16xi32>
        %shift_right_arithmetic3A_349 = arith.shrsi %bitcast_convert_type3A, %shift_right_arithmetic3A_348 : vector<16xi32>
        %sub3A = arith.constant 1597463007 : i32
        %sub3A_350 = vector.broadcast %sub3A : i32 to vector<16xi32>
        %sub3A_351 = arith.subi %sub3A_350, %shift_right_arithmetic3A_349 : vector<16xi32>
        %bitcast_convert_type3A_352 = tpu.bitcast %sub3A_351 : vector<16xi32> -> vector<16xf32>
        %broadcast_in_dim3A_353 = arith.constant 1.500000e+00 : f32
        %broadcast_in_dim3A_354 = vector.broadcast %broadcast_in_dim3A_353 : f32 to vector<16xf32>
        %broadcast_in_dim3A_355 = arith.constant 5.000000e-01 : f32
        %broadcast_in_dim3A_356 = vector.broadcast %broadcast_in_dim3A_355 : f32 to vector<16xf32>
        %mul3A_357 = arith.mulf %broadcast_in_dim3A_356, %add3A_346 : vector<16xf32>
        %mul3A_358 = arith.mulf %mul3A_357, %bitcast_convert_type3A_352 : vector<16xf32>
        %mul3A_359 = arith.mulf %mul3A_358, %bitcast_convert_type3A_352 : vector<16xf32>
        %sub3A_360 = arith.subf %broadcast_in_dim3A_354, %mul3A_359 : vector<16xf32>
        %mul3A_361 = arith.mulf %bitcast_convert_type3A_352, %sub3A_360 : vector<16xf32>
        %broadcast_in_dim3A_362 = arith.constant 1.500000e+00 : f32
        %broadcast_in_dim3A_363 = vector.broadcast %broadcast_in_dim3A_362 : f32 to vector<16xf32>
        %broadcast_in_dim3A_364 = arith.constant 5.000000e-01 : f32
        %broadcast_in_dim3A_365 = vector.broadcast %broadcast_in_dim3A_364 : f32 to vector<16xf32>
        %mul3A_366 = arith.mulf %broadcast_in_dim3A_365, %add3A_346 : vector<16xf32>
        %mul3A_367 = arith.mulf %mul3A_366, %mul3A_361 : vector<16xf32>
        %mul3A_368 = arith.mulf %mul3A_367, %mul3A_361 : vector<16xf32>
        %sub3A_369 = arith.subf %broadcast_in_dim3A_363, %mul3A_368 : vector<16xf32>
        %mul3A_370 = arith.mulf %mul3A_361, %sub3A_369 : vector<16xf32>
        %broadcast_in_dim3A_371 = arith.constant 1.500000e+00 : f32
        %broadcast_in_dim3A_372 = vector.broadcast %broadcast_in_dim3A_371 : f32 to vector<16xf32>
        %broadcast_in_dim3A_373 = arith.constant 5.000000e-01 : f32
        %broadcast_in_dim3A_374 = vector.broadcast %broadcast_in_dim3A_373 : f32 to vector<16xf32>
        %mul3A_375 = arith.mulf %broadcast_in_dim3A_374, %add3A_346 : vector<16xf32>
        %mul3A_376 = arith.mulf %mul3A_375, %mul3A_370 : vector<16xf32>
        %mul3A_377 = arith.mulf %mul3A_376, %mul3A_370 : vector<16xf32>
        %sub3A_378 = arith.subf %broadcast_in_dim3A_372, %mul3A_377 : vector<16xf32>
        %mul3A_379 = arith.mulf %mul3A_370, %sub3A_378 : vector<16xf32>
        %broadcast_in_dim3A_380 = arith.constant 1.000000e+00 : f32
        %broadcast_in_dim3A_381 = vector.broadcast %broadcast_in_dim3A_380 : f32 to vector<16xf32>
        %sub3A_382 = arith.subf %broadcast_in_dim3A_381, %abs3A : vector<16xf32>
        %bitcast_convert_type3A_383 = tpu.bitcast %sub3A_382 : vector<16xf32> -> vector<16xi32>
        %shift_right_arithmetic3A_384 = arith.constant 1 : i32
        %shift_right_arithmetic3A_385 = vector.broadcast %shift_right_arithmetic3A_384 : i32 to vector<16xi32>
        %shift_right_arithmetic3A_386 = arith.shrsi %bitcast_convert_type3A_383, %shift_right_arithmetic3A_385 : vector<16xi32>
        %sub3A_387 = arith.constant 1597463007 : i32
        %sub3A_388 = vector.broadcast %sub3A_387 : i32 to vector<16xi32>
        %sub3A_389 = arith.subi %sub3A_388, %shift_right_arithmetic3A_386 : vector<16xi32>
        %bitcast_convert_type3A_390 = tpu.bitcast %sub3A_389 : vector<16xi32> -> vector<16xf32>
        %broadcast_in_dim3A_391 = arith.constant 1.500000e+00 : f32
        %broadcast_in_dim3A_392 = vector.broadcast %broadcast_in_dim3A_391 : f32 to vector<16xf32>
        %broadcast_in_dim3A_393 = arith.constant 5.000000e-01 : f32
        %broadcast_in_dim3A_394 = vector.broadcast %broadcast_in_dim3A_393 : f32 to vector<16xf32>
        %mul3A_395 = arith.mulf %broadcast_in_dim3A_394, %sub3A_382 : vector<16xf32>
        %mul3A_396 = arith.mulf %mul3A_395, %bitcast_convert_type3A_390 : vector<16xf32>
        %mul3A_397 = arith.mulf %mul3A_396, %bitcast_convert_type3A_390 : vector<16xf32>
        %sub3A_398 = arith.subf %broadcast_in_dim3A_392, %mul3A_397 : vector<16xf32>
        %mul3A_399 = arith.mulf %bitcast_convert_type3A_390, %sub3A_398 : vector<16xf32>
        %broadcast_in_dim3A_400 = arith.constant 1.500000e+00 : f32
        %broadcast_in_dim3A_401 = vector.broadcast %broadcast_in_dim3A_400 : f32 to vector<16xf32>
        %broadcast_in_dim3A_402 = arith.constant 5.000000e-01 : f32
        %broadcast_in_dim3A_403 = vector.broadcast %broadcast_in_dim3A_402 : f32 to vector<16xf32>
        %mul3A_404 = arith.mulf %broadcast_in_dim3A_403, %sub3A_382 : vector<16xf32>
        %mul3A_405 = arith.mulf %mul3A_404, %mul3A_399 : vector<16xf32>
        %mul3A_406 = arith.mulf %mul3A_405, %mul3A_399 : vector<16xf32>
        %sub3A_407 = arith.subf %broadcast_in_dim3A_401, %mul3A_406 : vector<16xf32>
        %mul3A_408 = arith.mulf %mul3A_399, %sub3A_407 : vector<16xf32>
        %broadcast_in_dim3A_409 = arith.constant 1.500000e+00 : f32
        %broadcast_in_dim3A_410 = vector.broadcast %broadcast_in_dim3A_409 : f32 to vector<16xf32>
        %broadcast_in_dim3A_411 = arith.constant 5.000000e-01 : f32
        %broadcast_in_dim3A_412 = vector.broadcast %broadcast_in_dim3A_411 : f32 to vector<16xf32>
        %mul3A_413 = arith.mulf %broadcast_in_dim3A_412, %sub3A_382 : vector<16xf32>
        %mul3A_414 = arith.mulf %mul3A_413, %mul3A_408 : vector<16xf32>
        %mul3A_415 = arith.mulf %mul3A_414, %mul3A_408 : vector<16xf32>
        %sub3A_416 = arith.subf %broadcast_in_dim3A_410, %mul3A_415 : vector<16xf32>
        %mul3A_417 = arith.mulf %mul3A_408, %sub3A_416 : vector<16xf32>
        %broadcast_in_dim3A_418 = arith.constant 0.000000e+00 : f32
        %broadcast_in_dim3A_419 = vector.broadcast %broadcast_in_dim3A_418 : f32 to vector<16xf32>
        %lt3A = arith.cmpf olt, %min3A, %broadcast_in_dim3A_419 : vector<16xf32>
        %broadcast_in_dim3A_420 = arith.constant 3.14159274 : f32
        %broadcast_in_dim3A_421 = vector.broadcast %broadcast_in_dim3A_420 : f32 to vector<16xf32>
        %mul3A_422 = arith.mulf %broadcast_in_dim3A_421, %mul3A_417 : vector<16xf32>
        %broadcast_in_dim3A_423 = arith.constant 0.000000e+00 : f32
        %broadcast_in_dim3A_424 = vector.broadcast %broadcast_in_dim3A_423 : f32 to vector<16xf32>
        %select_n3A = arith.select %lt3A, %mul3A_422, %broadcast_in_dim3A_424 : vector<16xi1>, vector<16xf32>
        %broadcast_in_dim3A_425 = arith.constant -1.000000e+00 : f32
        %broadcast_in_dim3A_426 = vector.broadcast %broadcast_in_dim3A_425 : f32 to vector<16xf32>
        %broadcast_in_dim3A_427 = arith.constant 1.000000e+00 : f32
        %broadcast_in_dim3A_428 = vector.broadcast %broadcast_in_dim3A_427 : f32 to vector<16xf32>
        %select_n3A_429 = arith.select %lt3A, %broadcast_in_dim3A_426, %broadcast_in_dim3A_428 : vector<16xi1>, vector<16xf32>
        %mul3A_430 = arith.mulf %select_n3A_429, %add3A_343 : vector<16xf32>
        %add3A_431 = arith.addf %select_n3A, %mul3A_430 : vector<16xf32>
        %mul3A_432 = arith.mulf %add3A_431, %mul3A_379 : vector<16xf32>
        %mul3A_433 = arith.mulf %mul3A_432, %min3A : vector<16xf32>
        %add3A_434 = arith.constant 0 : i32
        %add3A_435 = vector.broadcast %add3A_434 : i32 to vector<16xi32>
        %add3A_436 = arith.addi %mul3A_7, %add3A_435 : vector<16xi32>
        %mul3A_437 = arith.mulf %mul3A_432, %gather3A_199 : vector<16xf32>
        %mul3A_438 = arith.mulf %mul3A_433, %gather3A : vector<16xf32>
        %sub3A_439 = arith.subf %mul3A_437, %mul3A_438 : vector<16xf32>
        tpu.vector_store_idx %arg15[%add3A_187, %add3A_436], %sub3A_439 : memref<40x128xf32, #tpu.memory_space<vmem>>[vector<16xi32>, vector<16xi32>], vector<16xf32>,
        %add3A_440 = arith.constant 1 : i32
        %add3A_441 = vector.broadcast %add3A_440 : i32 to vector<16xi32>
        %add3A_442 = arith.addi %mul3A_7, %add3A_441 : vector<16xi32>
        %mul3A_443 = arith.mulf %mul3A_432, %gather3A_206 : vector<16xf32>
        %mul3A_444 = arith.mulf %mul3A_433, %gather3A_205 : vector<16xf32>
        %sub3A_445 = arith.subf %mul3A_443, %mul3A_444 : vector<16xf32>
        tpu.vector_store_idx %arg15[%add3A_187, %add3A_442], %sub3A_445 : memref<40x128xf32, #tpu.memory_space<vmem>>[vector<16xi32>, vector<16xi32>], vector<16xf32>,
        %add3A_446 = arith.constant 2 : i32
        %add3A_447 = vector.broadcast %add3A_446 : i32 to vector<16xi32>
        %add3A_448 = arith.addi %mul3A_7, %add3A_447 : vector<16xi32>
        %mul3A_449 = arith.mulf %mul3A_432, %gather3A_213 : vector<16xf32>
        %mul3A_450 = arith.mulf %mul3A_433, %gather3A_212 : vector<16xf32>
        %sub3A_451 = arith.subf %mul3A_449, %mul3A_450 : vector<16xf32>
        tpu.vector_store_idx %arg15[%add3A_187, %add3A_448], %sub3A_451 : memref<40x128xf32, #tpu.memory_space<vmem>>[vector<16xi32>, vector<16xi32>], vector<16xf32>,
        %add3A_452 = arith.constant 3 : i32
        %add3A_453 = vector.broadcast %add3A_452 : i32 to vector<16xi32>
        %add3A_454 = arith.addi %mul3A_7, %add3A_453 : vector<16xi32>
        %mul3A_455 = arith.mulf %mul3A_432, %gather3A_220 : vector<16xf32>
        %mul3A_456 = arith.mulf %mul3A_433, %gather3A_219 : vector<16xf32>
        %sub3A_457 = arith.subf %mul3A_455, %mul3A_456 : vector<16xf32>
        tpu.vector_store_idx %arg15[%add3A_187, %add3A_454], %sub3A_457 : memref<40x128xf32, #tpu.memory_space<vmem>>[vector<16xi32>, vector<16xi32>], vector<16xf32>,
        %add3A_458 = arith.constant 4 : i32
        %add3A_459 = vector.broadcast %add3A_458 : i32 to vector<16xi32>
        %add3A_460 = arith.addi %mul3A_7, %add3A_459 : vector<16xi32>
        %mul3A_461 = arith.mulf %mul3A_432, %gather3A_227 : vector<16xf32>
        %mul3A_462 = arith.mulf %mul3A_433, %gather3A_226 : vector<16xf32>
        %sub3A_463 = arith.subf %mul3A_461, %mul3A_462 : vector<16xf32>
        tpu.vector_store_idx %arg15[%add3A_187, %add3A_460], %sub3A_463 : memref<40x128xf32, #tpu.memory_space<vmem>>[vector<16xi32>, vector<16xi32>], vector<16xf32>,
        %add3A_464 = arith.constant 5 : i32
        %add3A_465 = vector.broadcast %add3A_464 : i32 to vector<16xi32>
        %add3A_466 = arith.addi %mul3A_7, %add3A_465 : vector<16xi32>
        %mul3A_467 = arith.mulf %mul3A_432, %gather3A_234 : vector<16xf32>
        %mul3A_468 = arith.mulf %mul3A_433, %gather3A_233 : vector<16xf32>
        %sub3A_469 = arith.subf %mul3A_467, %mul3A_468 : vector<16xf32>
        tpu.vector_store_idx %arg15[%add3A_187, %add3A_466], %sub3A_469 : memref<40x128xf32, #tpu.memory_space<vmem>>[vector<16xi32>, vector<16xi32>], vector<16xf32>,
        %add3A_470 = arith.constant 6 : i32
        %add3A_471 = vector.broadcast %add3A_470 : i32 to vector<16xi32>
        %add3A_472 = arith.addi %mul3A_7, %add3A_471 : vector<16xi32>
        %mul3A_473 = arith.mulf %mul3A_432, %gather3A_241 : vector<16xf32>
        %mul3A_474 = arith.mulf %mul3A_433, %gather3A_240 : vector<16xf32>
        %sub3A_475 = arith.subf %mul3A_473, %mul3A_474 : vector<16xf32>
        tpu.vector_store_idx %arg15[%add3A_187, %add3A_472], %sub3A_475 : memref<40x128xf32, #tpu.memory_space<vmem>>[vector<16xi32>, vector<16xi32>], vector<16xf32>,
        %add3A_476 = arith.constant 7 : i32
        %add3A_477 = vector.broadcast %add3A_476 : i32 to vector<16xi32>
        %add3A_478 = arith.addi %mul3A_7, %add3A_477 : vector<16xi32>
        %mul3A_479 = arith.mulf %mul3A_432, %gather3A_248 : vector<16xf32>
        %mul3A_480 = arith.mulf %mul3A_433, %gather3A_247 : vector<16xf32>
        %sub3A_481 = arith.subf %mul3A_479, %mul3A_480 : vector<16xf32>
        tpu.vector_store_idx %arg15[%add3A_187, %add3A_478], %sub3A_481 : memref<40x128xf32, #tpu.memory_space<vmem>>[vector<16xi32>, vector<16xi32>], vector<16xf32>,
        %add3A_482 = arith.constant 8 : i32
        %add3A_483 = vector.broadcast %add3A_482 : i32 to vector<16xi32>
        %add3A_484 = arith.addi %mul3A_7, %add3A_483 : vector<16xi32>
        %mul3A_485 = arith.mulf %mul3A_432, %gather3A_255 : vector<16xf32>
        %mul3A_486 = arith.mulf %mul3A_433, %gather3A_254 : vector<16xf32>
        %sub3A_487 = arith.subf %mul3A_485, %mul3A_486 : vector<16xf32>
        tpu.vector_store_idx %arg15[%add3A_187, %add3A_484], %sub3A_487 : memref<40x128xf32, #tpu.memory_space<vmem>>[vector<16xi32>, vector<16xi32>], vector<16xf32>,
        %add3A_488 = arith.constant 9 : i32
        %add3A_489 = vector.broadcast %add3A_488 : i32 to vector<16xi32>
        %add3A_490 = arith.addi %mul3A_7, %add3A_489 : vector<16xi32>
        %mul3A_491 = arith.mulf %mul3A_432, %gather3A_262 : vector<16xf32>
        %mul3A_492 = arith.mulf %mul3A_433, %gather3A_261 : vector<16xf32>
        %sub3A_493 = arith.subf %mul3A_491, %mul3A_492 : vector<16xf32>
        tpu.vector_store_idx %arg15[%add3A_187, %add3A_490], %sub3A_493 : memref<40x128xf32, #tpu.memory_space<vmem>>[vector<16xi32>, vector<16xi32>], vector<16xf32>,
        %add3A_494 = arith.constant 10 : i32
        %add3A_495 = vector.broadcast %add3A_494 : i32 to vector<16xi32>
        %add3A_496 = arith.addi %mul3A_7, %add3A_495 : vector<16xi32>
        %mul3A_497 = arith.mulf %mul3A_432, %gather3A_269 : vector<16xf32>
        %mul3A_498 = arith.mulf %mul3A_433, %gather3A_268 : vector<16xf32>
        %sub3A_499 = arith.subf %mul3A_497, %mul3A_498 : vector<16xf32>
        tpu.vector_store_idx %arg15[%add3A_187, %add3A_496], %sub3A_499 : memref<40x128xf32, #tpu.memory_space<vmem>>[vector<16xi32>, vector<16xi32>], vector<16xf32>,
        %add3A_500 = arith.constant 11 : i32
        %add3A_501 = vector.broadcast %add3A_500 : i32 to vector<16xi32>
        %add3A_502 = arith.addi %mul3A_7, %add3A_501 : vector<16xi32>
        %mul3A_503 = arith.mulf %mul3A_432, %gather3A_276 : vector<16xf32>
        %mul3A_504 = arith.mulf %mul3A_433, %gather3A_275 : vector<16xf32>
        %sub3A_505 = arith.subf %mul3A_503, %mul3A_504 : vector<16xf32>
        tpu.vector_store_idx %arg15[%add3A_187, %add3A_502], %sub3A_505 : memref<40x128xf32, #tpu.memory_space<vmem>>[vector<16xi32>, vector<16xi32>], vector<16xf32>,
        %add3A_506 = arith.constant 12 : i32
        %add3A_507 = vector.broadcast %add3A_506 : i32 to vector<16xi32>
        %add3A_508 = arith.addi %mul3A_7, %add3A_507 : vector<16xi32>
        %mul3A_509 = arith.mulf %mul3A_432, %gather3A_283 : vector<16xf32>
        %mul3A_510 = arith.mulf %mul3A_433, %gather3A_282 : vector<16xf32>
        %sub3A_511 = arith.subf %mul3A_509, %mul3A_510 : vector<16xf32>
        tpu.vector_store_idx %arg15[%add3A_187, %add3A_508], %sub3A_511 : memref<40x128xf32, #tpu.memory_space<vmem>>[vector<16xi32>, vector<16xi32>], vector<16xf32>,
        %add3A_512 = arith.constant 13 : i32
        %add3A_513 = vector.broadcast %add3A_512 : i32 to vector<16xi32>
        %add3A_514 = arith.addi %mul3A_7, %add3A_513 : vector<16xi32>
        %mul3A_515 = arith.mulf %mul3A_432, %gather3A_290 : vector<16xf32>
        %mul3A_516 = arith.mulf %mul3A_433, %gather3A_289 : vector<16xf32>
        %sub3A_517 = arith.subf %mul3A_515, %mul3A_516 : vector<16xf32>
        tpu.vector_store_idx %arg15[%add3A_187, %add3A_514], %sub3A_517 : memref<40x128xf32, #tpu.memory_space<vmem>>[vector<16xi32>, vector<16xi32>], vector<16xf32>,
        %add3A_518 = arith.constant 14 : i32
        %add3A_519 = vector.broadcast %add3A_518 : i32 to vector<16xi32>
        %add3A_520 = arith.addi %mul3A_7, %add3A_519 : vector<16xi32>
        %mul3A_521 = arith.mulf %mul3A_432, %gather3A_297 : vector<16xf32>
        %mul3A_522 = arith.mulf %mul3A_433, %gather3A_296 : vector<16xf32>
        %sub3A_523 = arith.subf %mul3A_521, %mul3A_522 : vector<16xf32>
        tpu.vector_store_idx %arg15[%add3A_187, %add3A_520], %sub3A_523 : memref<40x128xf32, #tpu.memory_space<vmem>>[vector<16xi32>, vector<16xi32>], vector<16xf32>,
        %add3A_524 = arith.constant 15 : i32
        %add3A_525 = vector.broadcast %add3A_524 : i32 to vector<16xi32>
        %add3A_526 = arith.addi %mul3A_7, %add3A_525 : vector<16xi32>
        %mul3A_527 = arith.mulf %mul3A_432, %gather3A_304 : vector<16xf32>
        %mul3A_528 = arith.mulf %mul3A_433, %gather3A_303 : vector<16xf32>
        %sub3A_529 = arith.subf %mul3A_527, %mul3A_528 : vector<16xf32>
        tpu.vector_store_idx %arg15[%add3A_187, %add3A_526], %sub3A_529 : memref<40x128xf32, #tpu.memory_space<vmem>>[vector<16xi32>, vector<16xi32>], vector<16xf32>,
        %scan3A_530 = arith.constant 0 : i32
        scf.yield %scan3A_530 : i32
      }
      %scan3A_177 = arith.constant 20 : i32
      %dma_start3A_178 = arith.constant 0 : i32
      %dma_start3A_179 = arith.constant 0 : i32
      %dma_start3A_180 = tpu.memref_slice %arg5[%dma_start3A_178, %dma_start3A_179] : memref<10000x128xf32, #tpu.memory_space<vmem_shared>> -> memref<10000x128xf32, #tpu.memory_space<vmem_shared>>
      tpu.enqueue_indirect_dma source(%arg15 : memref<40x128xf32, #tpu.memory_space<vmem>>) target(%dma_start3A_180 : memref<10000x128xf32, #tpu.memory_space<vmem_shared>>) offsets(%arg9 : memref<40xi32, #tpu.memory_space<vmem>>) semaphore(%arg22 : memref<!tpu.dma_semaphore, #tpu.memory_space<semaphore_mem>>) {add = true}
      %scan3A_181 = arith.constant 0 : i32
      scf.yield %scan3A_181 : i32
    }
    %scan3A_53 = arith.constant 125 : i32
    %dma_wait3A = arith.constant 0 : i32
    %dma_wait3A_54 = arith.constant 0 : i32
    %dma_wait3A_55 = tpu.memref_slice %arg5[%dma_wait3A, %dma_wait3A_54] : memref<10000x128xf32, #tpu.memory_space<vmem_shared>> -> memref<10000x128xf32, #tpu.memory_space<vmem_shared>>
    tpu.wait_indirect_dma semaphore(%arg21 : memref<!tpu.dma_semaphore, #tpu.memory_space<semaphore_mem>>) src(%arg14 : memref<40x128xf32, #tpu.memory_space<vmem>>) dst(%dma_wait3A_55 : memref<10000x128xf32, #tpu.memory_space<vmem_shared>>)
    %dma_wait3A_56 = arith.constant 0 : i32
    %dma_wait3A_57 = arith.constant 0 : i32
    %dma_wait3A_58 = tpu.memref_slice %arg5[%dma_wait3A_56, %dma_wait3A_57] : memref<10000x128xf32, #tpu.memory_space<vmem_shared>> -> memref<10000x128xf32, #tpu.memory_space<vmem_shared>>
    tpu.wait_indirect_dma semaphore(%arg22 : memref<!tpu.dma_semaphore, #tpu.memory_space<semaphore_mem>>) src(%arg15 : memref<40x128xf32, #tpu.memory_space<vmem>>) dst(%dma_wait3A_58 : memref<10000x128xf32, #tpu.memory_space<vmem_shared>>)
    %barrier3A_59 = arith.constant 0 : index
    tpu.barrier barrier_id(%barrier3A_59)
    %scan3A_60 = arith.constant 0 : i32
    %scan3A_61 = arith.constant 0 : i32
    %scan3A_62 = arith.constant 79 : i32
    %scan3A_63 = arith.addi %scan3A_61, %scan3A_62 : i32
    %scan3A_64 = arith.constant 1 : i32
    %scan3A_65 = scf.for %scan3A_67 = %scan3A_61 to %scan3A_63 step %scan3A_64 iter_args(%scan3A_68 = %scan3A_60) -> (i32)  : i32 {
      %mul3A_69 = arith.constant 16 : i32
      %mul3A_70 = arith.muli %scan3A_67, %mul3A_69 : i32
      %add3A_71 = arith.addi %arg1, %mul3A_70 : i32
      %lt3A = arith.constant 1250 : i32
      %lt3A_72 = arith.cmpi slt, %add3A_71, %lt3A : i32
      %convert_element_type3A = arith.extui %lt3A_72 : i1 to i32
      %cond3A = arith.constant 0 : i32
      %cond3A_73 = arith.cmpi ne, %convert_element_type3A, %cond3A : i32
      scf.if %cond3A_73 {
        %mul3A_75 = arith.constant 8 : i32
        %mul3A_76 = arith.muli %add3A_71, %mul3A_75 : i32
        "tpu.region"() ({
          %run_scoped3A = tpu.sem_alloc : memref<!tpu.dma_semaphore, #tpu.memory_space<semaphore_mem>>
          %dma_start3A_77 = arith.constant 0 : i32
          %dma_start3A_78 = tpu.memref_slice %arg5[%mul3A_76, %dma_start3A_77] : memref<10000x128xf32, #tpu.memory_space<vmem_shared>> -> memref<8x128xf32, #tpu.memory_space<vmem_shared>>
          %dma_start3A_79 = arith.constant 0 : i32
          %dma_start3A_80 = tpu.memref_slice %arg5[%mul3A_76, %dma_start3A_79] : memref<10000x128xf32, #tpu.memory_space<vmem_shared>> -> memref<8x128xf32, #tpu.memory_space<vmem_shared>>
          tpu.enqueue_dma source(%dma_start3A_80 : memref<8x128xf32, #tpu.memory_space<vmem_shared>>) target(%arg16 : memref<8x128xf32, #tpu.memory_space<vmem>>) target_semaphore(%run_scoped3A : memref<!tpu.dma_semaphore, #tpu.memory_space<semaphore_mem>>)
          %dma_wait3A_81 = arith.constant 0 : i32
          %dma_wait3A_82 = tpu.memref_slice %arg5[%mul3A_76, %dma_wait3A_81] : memref<10000x128xf32, #tpu.memory_space<vmem_shared>> -> memref<8x128xf32, #tpu.memory_space<vmem_shared>>
          %dma_wait3A_83 = arith.constant 0 : i32
          %dma_wait3A_84 = tpu.memref_slice %arg5[%mul3A_76, %dma_wait3A_83] : memref<10000x128xf32, #tpu.memory_space<vmem_shared>> -> memref<8x128xf32, #tpu.memory_space<vmem_shared>>
          tpu.wait_dma2 semaphore(%run_scoped3A : memref<!tpu.dma_semaphore, #tpu.memory_space<semaphore_mem>>) src(%dma_wait3A_84 : memref<8x128xf32, #tpu.memory_space<vmem_shared>>) dst(%arg16 : memref<8x128xf32, #tpu.memory_space<vmem>>)
          tpu.yield
        }) : () -> ()
        "tpu.region"() ({
          %run_scoped3A = tpu.sem_alloc : memref<!tpu.dma_semaphore, #tpu.memory_space<semaphore_mem>>
          %dma_start3A_77 = arith.constant 0 : i32
          %dma_start3A_78 = tpu.memref_slice %arg4[%arg0, %mul3A_76, %dma_start3A_77] : memref<2x10000x128xf32, #tpu.memory_space<hbm>> -> memref<1x8x128xf32, #tpu.memory_space<hbm>>
          %dma_start3A_79 = tpu.memref_squeeze %dma_start3A_78 : memref<1x8x128xf32, #tpu.memory_space<hbm>> -> memref<8x128xf32, #tpu.memory_space<hbm>>
          %dma_start3A_80 = arith.constant 0 : i32
          %dma_start3A_81 = tpu.memref_slice %arg4[%arg0, %mul3A_76, %dma_start3A_80] : memref<2x10000x128xf32, #tpu.memory_space<hbm>> -> memref<1x8x128xf32, #tpu.memory_space<hbm>>
          %dma_start3A_82 = tpu.memref_squeeze %dma_start3A_81 : memref<1x8x128xf32, #tpu.memory_space<hbm>> -> memref<8x128xf32, #tpu.memory_space<hbm>>
          tpu.enqueue_dma source(%arg16 : memref<8x128xf32, #tpu.memory_space<vmem>>) target(%dma_start3A_82 : memref<8x128xf32, #tpu.memory_space<hbm>>) target_semaphore(%run_scoped3A : memref<!tpu.dma_semaphore, #tpu.memory_space<semaphore_mem>>)
          %dma_wait3A_83 = arith.constant 0 : i32
          %dma_wait3A_84 = tpu.memref_slice %arg4[%arg0, %mul3A_76, %dma_wait3A_83] : memref<2x10000x128xf32, #tpu.memory_space<hbm>> -> memref<1x8x128xf32, #tpu.memory_space<hbm>>
          %dma_wait3A_85 = tpu.memref_squeeze %dma_wait3A_84 : memref<1x8x128xf32, #tpu.memory_space<hbm>> -> memref<8x128xf32, #tpu.memory_space<hbm>>
          %dma_wait3A_86 = arith.constant 0 : i32
          %dma_wait3A_87 = tpu.memref_slice %arg4[%arg0, %mul3A_76, %dma_wait3A_86] : memref<2x10000x128xf32, #tpu.memory_space<hbm>> -> memref<1x8x128xf32, #tpu.memory_space<hbm>>
          %dma_wait3A_88 = tpu.memref_squeeze %dma_wait3A_87 : memref<1x8x128xf32, #tpu.memory_space<hbm>> -> memref<8x128xf32, #tpu.memory_space<hbm>>
          tpu.wait_dma2 semaphore(%run_scoped3A : memref<!tpu.dma_semaphore, #tpu.memory_space<semaphore_mem>>) src(%arg16 : memref<8x128xf32, #tpu.memory_space<vmem>>) dst(%dma_wait3A_88 : memref<8x128xf32, #tpu.memory_space<hbm>>)
          tpu.yield
        }) : () -> ()
      } else {
      }
      %scan3A_74 = arith.constant 0 : i32
      scf.yield %scan3A_74 : i32
    }
    %scan3A_66 = arith.constant 79 : i32
    return
  }
}

</mosaic_0001>

<sc_bundles>
// kernel: _sc_edge.3.cloned.1.call-start
scs
__scs_entry_jumppad:
0x0: {  	(pc) =	sbr.rel $0x88, $3  }
0x1: {  	(tag) =	ssettag $0x0;
	lr =	simm.s32 $0x1  }
0x2: {  	[smem:$0x3F9F] =	sst lr;
	_ =	strace $0xD0000000  }
0x3: {  	_ = 	snop  }
0x4: {  	_ = 	snop  }
0x5: {  	_ = 	snop  }
0x6: {  	_ = 	snop  }
0x7: {  	_ = 	snop  }
__scs_overlays_trampoline_lowered:
0x8: {  	[smem:$0x3FAE] =	sst s0  }
0x9: {  	[smem:$0x3FAF] =	sst s1  }
0xa: {  	[smem:$0x3FB0] =	sst s2  }
0xb: {  	[smem:$0x3FB1] =	sst s3  }
0xc: {  	[smem:$0x3FB2] =	sst s4  }
0xd: {  	[smem:$0x3FB3] =	sst s5  }
0xe: {  	[smem:$0x3FB4] =	sst s6  }
0xf: {  	[smem:$0x3FB5] =	sst s7  }
0x10: {  	[smem:$0x3FB6] =	sst s8  }
0x11: {  	[smem:$0x3FB7] =	sst s9;
	s0 =	simm.s32 @!p0 $0x0  }
0x12: {  	s1 =	sld [smem:$0x3F9D];
	s0 =	simm.s32 @p0 $0x1  }
0x13: {  	[smem:$0x3FB8] =	sst s0;
	s0 =	simm.s32 @!p1 $0x0  }
0x14: {  	s2 =	sld [smem:$0x3F9C];
	s0 =	simm.s32 @p1 $0x1  }
0x15: {  	[smem:$0x3FB9] =	sst s0;
	s0 =	simm.s32 @!p2 $0x0  }
0x16: {  	s3 =	sld [smem:$0x3FDB];
	s0 =	simm.s32 @p2 $0x1  }
0x17: {  	s4 =	simm.s32 $0x1BF5;
	[smem:$0x3FBB] =	sst s0  }
0x18: {  	s0 =	sld [smem:$0x3F9E];
	_ =	swait.ge [sflag:s4], $0x0  }
0x19: {  	s7 =	sld [smem:$0x3F9F]  }
0x1a: {  	s8 =	sadd.s32 $0xFFFFE003, lr  }
0x1b: {  	s9 =	sadd.s32 $0xFFFFFEF7, lr;
	s5 =	simm.s32 $0xFFFFFFFF;
	p2 =	slt.u32 s8, $0xFFFFF086  }
0x1c: {  	p1 =	slt.u32 s9, $0xF7A;
	s5 =	simm.s32 @!p2 $0x0  }
0x1d: {  	s5 =	simm.s32 @p1 $0x1;
	p0 =	seq.s32 s7, s2  }
0x1e: {  	s7 =	smul.u32 @!p0 $0xF7A, s2;
	p2 =	seq.s32 @!p0 s5, $0x0  }
0x1f: {  	s9 =	smul.u32 $0xF7A, s1;
	s8 =	simm.s32 @!p0 $0x1BF5;
	p2 =	por !p2, p0  }
0x20: {  	[sflag:s8] =	ssyncset.s32 @!p0 $0xFFFFF086;
	s6 =	sadd.s32 @!p0 s3, s7;
	s7 =	simm.s32 @!p0 $0x108  }
0x21: {  	s3 =	sadd.s32 s3, s9;
	s6 =	sadd.s32 @!p0 $0x88, s6;
	s7 =	simm.s32 @p2 $0x1082  }
0x22: {  	[simem:s7], [sflag:s8] =	dma.local @!p0 [hbm:s6], $0xF7A  }
0x23: {  	s9 =	sor.u32 $0xD0000000, s2;
	s6 =	simm.s32 $0x108;
	_ =	swait.ge @!p0 [sflag:s8], $0x0  }
0x24: {  	s3 =	sadd.s32 $0x88, s3;
	s6 =	simm.s32 @!p1 $0x1082;
	[sflag:s4] =	ssyncset.s32 $0xFFFFF086  }
0x25: {  	[simem:s6], [sflag:s4] =	dma.local [hbm:s3], $0xF7A  }
0x26: {  	[smem:$0x3F9F] =	sst s1;
	(tag) =	ssettag s2;
	_ =	strace s9  }
0x27: {  	s1 =	sld [smem:$0x3FAF]  }
0x28: {  	s2 =	sld [smem:$0x3FB0]  }
0x29: {  	s4 =	sld [smem:$0x3FB2]  }
0x2a: {  	p0 =	seq.s32 s5, $0x0;
	s5 =	sld [smem:$0x3FB3]  }
0x2b: {  	s6 =	sld [smem:$0x3FB4]  }
0x2c: {  	s7 =	sld [smem:$0x3FB5]  }
0x2d: {  	s3 =	simm.s32 $0x108;
	s8 =	sld [smem:$0x3FB6]  }
0x2e: {  	s3 =	simm.s32 @!p0 $0x1082;
	s9 =	sld [smem:$0x3FB7]  }
0x2f: {  	lr =	sadd.s32 s0, s3;
	s0 =	sld [smem:$0x3FAE]  }
0x30: {  	s3 =	sld [smem:$0x3FB1]  }
0x31: {  	[smem:$0x3FBA] =	sst s10  }
0x32: {  	s10 =	sld [smem:$0x3FB8];
	_ =	sdelay $0x3  }
0x33: {  	p0 =	seq.s32 s10, $0x1;
	s10 =	sld [smem:$0x3FBA];
	_ =	sdelay $0x3  }
0x34: {  	[smem:$0x3FBA] =	sst s10  }
0x35: {  	s10 =	sld [smem:$0x3FB9];
	_ =	sdelay $0x3  }
0x36: {  	p1 =	seq.s32 s10, $0x1;
	s10 =	sld [smem:$0x3FBA];
	_ =	sdelay $0x3  }
0x37: {  	[smem:$0x3FBA] =	sst s10  }
0x38: {  	s10 =	sld [smem:$0x3FBB]  }
0x39: {  	_ = 	snop;
	(pc) =	sbr.ind lr, $3  }
0x3a: {  	_ = 	snop  }
0x3b: {  	_ = 	snop  }
0x3c: {  	p2 =	seq.s32 s10, $0x1;
	s10 =	sld [smem:$0x3FBA]  }
0x3d: {  	_ =	shalt  }
0x3e: {  	_ =	shalt  }
0x3f: {  	_ =	shalt  }
0x40: {  	_ =	shalt  }
0x41: {  	_ =	shalt  }
0x42: {  	_ =	shalt  }
0x43: {  	_ =	shalt  }
0x44: {  	_ =	shalt  }
0x45: {  	_ =	shalt  }
0x46: {  	_ =	shalt  }
0x47: {  	_ =	shalt  }
0x48: {  	_ =	shalt  }
0x49: {  	_ =	shalt  }
0x4a: {  	_ =	shalt  }
0x4b: {  	_ =	shalt  }
0x4c: {  	_ =	shalt  }
0x4d: {  	_ =	shalt  }
0x4e: {  	_ =	shalt  }
0x4f: {  	_ =	shalt  }
0x50: {  	_ =	shalt  }
0x51: {  	_ =	shalt  }
0x52: {  	_ =	shalt  }
0x53: {  	_ =	shalt  }
0x54: {  	_ =	shalt  }
0x55: {  	_ =	shalt  }
0x56: {  	_ =	shalt  }
0x57: {  	_ =	shalt  }
0x58: {  	_ =	shalt  }
0x59: {  	_ =	shalt  }
0x5a: {  	_ =	shalt  }
0x5b: {  	_ =	shalt  }
0x5c: {  	_ =	shalt  }
0x5d: {  	_ =	shalt  }
0x5e: {  	_ =	shalt  }
0x5f: {  	_ =	shalt  }
0x60: {  	_ =	shalt  }
0x61: {  	_ =	shalt  }
0x62: {  	_ =	shalt  }
0x63: {  	_ =	shalt  }
0x64: {  	_ =	shalt  }
0x65: {  	_ =	shalt  }
0x66: {  	_ =	shalt  }
0x67: {  	_ =	shalt  }
0x68: {  	_ =	shalt  }
0x69: {  	_ =	shalt  }
0x6a: {  	_ =	shalt  }
0x6b: {  	_ =	shalt  }
0x6c: {  	_ =	shalt  }
0x6d: {  	_ =	shalt  }
0x6e: {  	_ =	shalt  }
0x6f: {  	_ =	shalt  }
0x70: {  	_ =	shalt  }
0x71: {  	_ =	shalt  }
0x72: {  	_ =	shalt  }
0x73: {  	_ =	shalt  }
0x74: {  	_ =	shalt  }
0x75: {  	_ =	shalt  }
0x76: {  	_ =	shalt  }
0x77: {  	_ =	shalt  }
0x78: {  	_ =	shalt  }
0x79: {  	_ =	shalt  }
0x7a: {  	_ =	shalt  }
0x7b: {  	_ =	shalt  }
0x7c: {  	_ =	shalt  }
0x7d: {  	_ =	shalt  }
0x7e: {  	_ =	shalt  }
0x7f: {  	_ =	shalt  }
0x80: {  	_ =	shalt  }
0x81: {  	_ =	shalt  }
0x82: {  	_ =	shalt  }
0x83: {  	_ =	shalt  }
0x84: {  	_ =	shalt  }
0x85: {  	_ =	shalt  }
0x86: {  	_ =	shalt  }
0x87: {  	_ =	shalt  }
.Lfunc_end0:
.L_simem_size_0:
called_computation_lowered:
.L_overlay_start_0:
0x88: {  	s2 =	sld [smem:$0x3FD9]  }
0x89: {  	s3 =	sld [smem:$0x3FFE];
	_ =	sdelay $0x1  }
0x8a: {  	s1 =	srdreg.scid  }
0x8b: {  	s0 =	sand.u32 $0x1, s1  }
0x8c: {  	s17 =	sshll.u32 s0, $0xA;
	s2 =	sadd.s32 s3, s2  }
0x8d: {  	s2 =	sadd.s32 s2, s17  }
0x8e: {  	[smem:$0x3FC6] =	sst s2  }
0x8f: {  	_ = 	snop  }
0x90: {  	s2 =	sld [smem:$0x3FC9]  }
0x91: {  	s18 =	sld [smem:$0x3FD0];
	(tm) =	ssettm $0x1  }
0x92: {  	s4 =	sld [smem:$0x3FFB];
	_ =	sdelay $0x3  }
0x93: {  	_ =	strace s4  }
0x94: {  	s4 =	sld [smem:$0x3FFC];
	_ =	sdelay $0x3  }
0x95: {  	_ =	strace s4  }
0x96: {  	s4 =	sld [smem:$0x3FFD];
	_ =	sdelay $0x3  }
0x97: {  	_ =	strace s4  }
0x98: {  	_ =	strace $0x8FFFFFFF  }
0x99: {  	s19 =	sld [smem:$0x3FDB];
	_ =	sdelay $0x1  }
0x9a: {  	s5 =	simm.s32 $_scs_section_size  }
0x9b: {  	s6 =	simm.s32 $_size__tile_overlayer_lowered;
	s7 =	simm.s32 $_tile_overlayer_lowered  }
0x9c: {  	s22 =	simm.s32 $0x1BFF;
	s21 =	sshll.u32 s7, $0x1;
	s4 =	sadd.s32 s5, s19  }
0x9d: {  	s8 =	simm.s32 $0x0;
	s20 =	sshll.u32 s6, $0x1;
	s6 =	sadd.s32 s21, s4  }
0x9e: {  	[timem:s8], [sflag:s22] =	dma.local [hbm:s6], s20  }
0x9f: {  	_ =	swait.ge [sflag:s22], s20  }
0xa0: {  	s5 =	ssub.s32 $0x0, s20;
	[sflag:s22] =	ssyncset.done $0x0  }
0xa1: {  	[sflag:s22] =	ssyncadd.s32 s5;
	_ =	sdelay $0x1  }
0xa2: {  	s23 =	simm.s32 $0x1B8B  }
0xa3: {  	_ =	swait.ge [sflag:s23], $0x1  }
0xa4: {  	[sflag:s23] =	ssyncset.done $0x0  }
0xa5: {  	s25 =	simm.s32 $0x1B8E;
	s24 =	sld [smem:$0x3FFE];
	[sflag:s23] =	ssyncadd.s32 $0xFFFFFFFF  }
0xa6: {  	s26 =	simm.s32 $execute0_lowered;
	[smem:$0x3FD2] =	sst s25  }
0xa7: {  	s6 =	sshll.u32 s26, $0x1;
	_ =	strace $0x80000046;
	[dreg:$0x1] =	wrdreg $0xFFFFFFFF  }
0xa8: {  	s28 =	simm.s32 $_size_execute0_lowered;
	s4 =	sadd.s32 s4, s6;
	[dreg:$0x0] =	wrdreg $0x0  }
0xa9: {  	s6 =	sshll.u32 s28, $0x1;
	[dreg:$0x2] =	wrdreg s4  }
0xaa: {  	[dreg:$0x3] =	wrdreg s6  }
0xab: {  	[dreg:$0x4] =	wrdreg $0xC0  }
0xac: {  	_ =	task [dreg:s8], $0x5FFFF  }
0xad: {  	[dreg:$0x1] =	wrdreg $0xFFFFFFFF  }
0xae: {  	[dreg:$0x0] =	wrdreg $0x60  }
0xaf: {  	[dreg:$0x2] =	wrdreg s2  }
0xb0: {  	[dreg:$0x3] =	wrdreg s24  }
0xb1: {  	[dreg:$0x4] =	wrdreg s18  }
0xb2: {  	[dreg:$0x5] =	wrdreg $0x0  }
0xb3: {  	[dreg:$0x6] =	wrdreg $0x9  }
0xb4: {  	_ =	task.clear_ibuf [dreg:s8], $0x7FFFF;
	_ =	strace $0x90000046  }
0xb5: {  	s29 =	simm.s32 $0x9;
	_ =	strace $0x80000048  }
0xb6: {  	_ =	swait.ge [sflag:s29], $0x1  }
0xb7: {  	[sflag:s29] =	ssyncadd.s32 $0xFFFFFFFF  }
0xb8: {  	_ =	strace $0x90000048  }
0xb9: {  	_ =	sfence  }
0xba: {  	s30 =	sld [smem:$0x0];
	_ =	sdelay $0x2  }
0xbb: {  	s31 =	sshll.u32 s1, $0xD;
	s1 =	sshrl.u32 s1, $0x2  }
0xbc: {  	s3 =	sand.u32 $0x4000, s31;
	s1 =	sadd.s32 s1, s30  }
0xbd: {  	s0 =	sor.u32 s3, s0;
	s1 =	sshll.u32 s1, $0x11  }
0xbe: {  	s0 =	sor.u32 s1, s0  }
0xbf: {  	s0 =	sadd.s32 $0x8F2B, s0  }
0xc0: {  	[sflag:s0] =	ssyncadd.remote.s32 $0x1  }
0xc1: {  	_ =	sfence.sel $0xFFFF  }
0xc2: {  	[dreg:$0x0] =	wrdreg $0xFFFFFFFF;
	(pc) =	sbr.abs _section_cstart, $3  }
0xc3: {  	[dreg:$0x1] =	wrdreg $0xFFFFFFFF  }
0xc4: {  	_ =	task.clear_ibuf [dreg:s8], $0x2FFFF;
	_ =	strace $0x9FFFFFFF  }
0xc5: {  	(tm) =	ssettm $0x7FFFFFFF  }
tec
execute0_lowered:
.L_overlay_start_1:
0x0: {  	(tag) =	ssettag $0x1  }
0x1: {  	s1 =	rddreg [dreg:$0x0]  }
0x2: {  	s2 =	rddreg [dreg:$0x1]  }
0x3: {  	s6 =	rddreg [dreg:$0x2]  }
0x4: {  	s4 =	srdreg.scid;
	s0 =	stileid.u32  }
0x5: {  	s3 =	rddreg [dreg:$0x3];
	v0 =	vlaneseq.u32;
	s14 =	simm.s32 $0x28;
	s15 =	simm.s32 $0x13B80  }
0x6: {  	s17 =	simm.s32 $0x16380;
	s18 =	simm.s32 $0x13980;
	s19 =	simm.s32 $0x4;
	v1 =	vand.u32 $0x7, v0  }
0x7: {  	s20 =	simm.s32 $0x14F80;
	s5 =	sand.u32 $0x1, s4;
	s4 =	simm.s32 $0x0;
	v0 =	vshrl.u32 v0, $0x3;
	v5 =	vmul.u32 $0x10, v1  }
0x8: {  	s21 =	simm.s32 $0x13A00;
	s28 =	simm.s32 $0x19F80;
	[smem:$0x7FF] =	sst s4;
	v6 =	vmul.u32 $0x80, v0  }
0x9: {  	s29 =	simm.s32 $0x13B00;
	s7 =	sshll.u32 s0, $0x1;
	_ =	strace $0x80000047;
	[tilespmem:$0x1FF90] =	vst v5  }
0xa: {  	s30 =	simm.s32 $0x5;
	s7 =	sor.u32 s5, s7;
	s11 =	smul.u32 $0x138800, s5;
	v24 =	vor.u32 $0xD, v5;
	[tilespmem:$0x1FFA0] =	vst v6  }
0xb: {  	s31 =	simm.s32 $0x6;
	s9 =	ssub.s32 $0x2, s5;
	s8 =	smul.u32 $0x1F40, s7;
	v30 =	vor.u32 $0xE, v5;
	[tilespmem:$0x1FF60] =	vst v24  }
0xc: {  	s22 =	sshll.u32 s0, $0xA;
	s10 =	sshrl.u32 s9, $0x1;
	s5 =	smul.u32 $0xFA, s7;
	v31 =	vor.u32 $0xF, v5;
	[tilespmem:$0x1FF70] =	vst v30  }
0xd: {  	s9 =	ssub.s32 s9, s10;
	s24 =	sadd.s32 s22, s11;
	s10 =	sadd.s32 s22, s3;
	v7 =	vor.u32 $0x1, v5;
	[tilespmem:$0x1FF80] =	vst v31  }
0xe: {  	v8 =	vor.u32 $0x2, v5;
	s22 =	simm.s32 $0x17780;
	s8 =	sadd.s32 s8, s2;
	s25 =	smax.u32 s9, $0x1;
	[tilespmem:$0x1FFB0] =	vst v7  }
0xf: {  	v9 =	vor.u32 $0x3, v5;
	s26 =	sshrl.u32 s24, $0x3;
	s24 =	simm.s32 $0x18B80;
	[tilespmem:$0x1FFC0] =	vst v8;
	s23 =	sadd.s32 $0x400, s8  }
0x10: {  	v10 =	vor.u32 $0x4, v5;
	v17 =	vor.u32 $0x5, v5;
	v4 =	vor.u32 $0x6, v5;
	[tilespmem:$0x1FFD0] =	vst v9;
	s8 =	sadd.s32 $0x420, s8;
	[dreg:$0x7] =	wrdreg s25;
	s11 =	sadd.s32 s26, s6  }
0x11: {  	v11 =	vor.u32 $0x7, v5;
	v12 =	vor.u32 $0x8, v5;
	v13 =	vor.u32 $0x9, v5;
	[tilespmem:$0x1FFE0] =	vst v10;
	s25 =	simm.s32 $0x13A80;
	s26 =	simm.s32 $0x2;
	[dreg:$0x5] =	wrdreg s23  }
0x12: {  	v14 =	vor.u32 $0xA, v5;
	v15 =	vor.u32 $0xB, v5;
	v16 =	vor.u32 $0xC, v5;
	[tilespmem:$0x1FFF0] =	vst v4;
	[dreg:$0x6] =	wrdreg s8;
	s8 =	sadd.s32 $0x440, s2;
	s23 =	simm.s32 $0x1  }
.LBB2_1:
0x13: {  	v0 =	vimm.f32 $0.0e+00  }
0x14: {  	[tilespmem:$0x1B380] =	vst v0  }
0x15: {  	[tilespmem:$0x1B390] =	vst v0  }
0x16: {  	[tilespmem:$0x1B3A0] =	vst v0  }
0x17: {  	[tilespmem:$0x1B3B0] =	vst v0  }
0x18: {  	[tilespmem:$0x1B3C0] =	vst v0  }
0x19: {  	[tilespmem:$0x1B3D0] =	vst v0  }
0x1a: {  	[tilespmem:$0x1B3E0] =	vst v0  }
0x1b: {  	[tilespmem:$0x1B3F0] =	vst v0  }
0x1c: {  	[tilespmem:$0x1B400] =	vst v0  }
0x1d: {  	[tilespmem:$0x1B410] =	vst v0  }
0x1e: {  	[tilespmem:$0x1B420] =	vst v0  }
0x1f: {  	[tilespmem:$0x1B430] =	vst v0  }
0x20: {  	[tilespmem:$0x1B440] =	vst v0  }
0x21: {  	[tilespmem:$0x1B450] =	vst v0  }
0x22: {  	[tilespmem:$0x1B460] =	vst v0  }
0x23: {  	[tilespmem:$0x1B470] =	vst v0  }
0x24: {  	[tilespmem:$0x1B480] =	vst v0  }
0x25: {  	[tilespmem:$0x1B490] =	vst v0  }
0x26: {  	[tilespmem:$0x1B4A0] =	vst v0  }
0x27: {  	[tilespmem:$0x1B4B0] =	vst v0  }
0x28: {  	[tilespmem:$0x1B4C0] =	vst v0  }
0x29: {  	[tilespmem:$0x1B4D0] =	vst v0  }
0x2a: {  	[tilespmem:$0x1B4E0] =	vst v0  }
0x2b: {  	[tilespmem:$0x1B4F0] =	vst v0  }
0x2c: {  	[tilespmem:$0x1B500] =	vst v0  }
0x2d: {  	[tilespmem:$0x1B510] =	vst v0  }
0x2e: {  	[tilespmem:$0x1B520] =	vst v0  }
0x2f: {  	[tilespmem:$0x1B530] =	vst v0  }
0x30: {  	[tilespmem:$0x1B540] =	vst v0  }
0x31: {  	[tilespmem:$0x1B550] =	vst v0  }
0x32: {  	[tilespmem:$0x1B560] =	vst v0  }
0x33: {  	[tilespmem:$0x1B570] =	vst v0  }
0x34: {  	[tilespmem:$0x1B580] =	vst v0  }
0x35: {  	[tilespmem:$0x1B590] =	vst v0  }
0x36: {  	[tilespmem:$0x1B5A0] =	vst v0  }
0x37: {  	[tilespmem:$0x1B5B0] =	vst v0  }
0x38: {  	[tilespmem:$0x1B5C0] =	vst v0  }
0x39: {  	[tilespmem:$0x1B5D0] =	vst v0  }
0x3a: {  	[tilespmem:$0x1B5E0] =	vst v0  }
0x3b: {  	[tilespmem:$0x1B5F0] =	vst v0  }
0x3c: {  	[tilespmem:$0x1B600] =	vst v0  }
0x3d: {  	[tilespmem:$0x1B610] =	vst v0  }
0x3e: {  	[tilespmem:$0x1B620] =	vst v0  }
0x3f: {  	[tilespmem:$0x1B630] =	vst v0  }
0x40: {  	[tilespmem:$0x1B640] =	vst v0  }
0x41: {  	[tilespmem:$0x1B650] =	vst v0  }
0x42: {  	[tilespmem:$0x1B660] =	vst v0  }
0x43: {  	[tilespmem:$0x1B670] =	vst v0  }
0x44: {  	[tilespmem:$0x1B680] =	vst v0  }
0x45: {  	[tilespmem:$0x1B690] =	vst v0  }
0x46: {  	[tilespmem:$0x1B6A0] =	vst v0  }
0x47: {  	[tilespmem:$0x1B6B0] =	vst v0  }
0x48: {  	[tilespmem:$0x1B6C0] =	vst v0  }
0x49: {  	[tilespmem:$0x1B6D0] =	vst v0  }
0x4a: {  	[tilespmem:$0x1B6E0] =	vst v0  }
0x4b: {  	[tilespmem:$0x1B6F0] =	vst v0  }
0x4c: {  	[tilespmem:$0x1B700] =	vst v0  }
0x4d: {  	[tilespmem:$0x1B710] =	vst v0  }
0x4e: {  	[tilespmem:$0x1B720] =	vst v0  }
0x4f: {  	[tilespmem:$0x1B730] =	vst v0  }
0x50: {  	[tilespmem:$0x1B740] =	vst v0  }
0x51: {  	s2 =	sadd.s32 $0x0, s0;
	[tilespmem:$0x1B750] =	vst v0  }
0x52: {  	[tilespmem:$0x1B760] =	vst v0;
	p0 =	sgt.u32 s2, $0x4E1  }
0x53: {  	[tilespmem:$0x1B770] =	vst v0;
	s2 =	simm.s32 @!p0 $0x1B380;
	s12 =	simm.s32 @!p0 $0x7  }
0x54: {  	[spmem:s10] =	stream.linear.scatter @!p0 [tilespmem:s2], [sflag:$0x7], $0x400, $0x38;
	[tilespmem:$0x1B780] =	vst v63  }
0x55: {  	s6 =	simm.s32 $0x10;
	_ =	swait.ge @!p0 [sflag:s12], $0x400  }
0x56: {  	s7 =	simm.s32 $0x20;
	s2 =	sadd.s32 $0x4000, s10;
	[sflag:s12] =	ssyncset.done @!p0 $0x0  }
.LBB2_2:
0x57: {  	s16 =	sadd.s32 s6, s0;
	s6 =	smov.u32 s7;
	s7 =	sadd.s32 $0x10, s7  }
0x58: {  	[sflag:s12] =	ssyncadd.s32 @!p0 $0xFFFFFC00;
	p1 =	sne.s32 s7, $0x4F0  }
.Ltmp0:
0x59: {  	p0 =	sgt.u32 s16, $0x4E1;
	(pc) =	sbr.rel @p1 .LBB2_2-.Ltmp0, $4  }
0x5a: {  	s16 =	simm.s32 @!p0 $0x1B380;
	s12 =	simm.s32 @!p0 $0x7  }
0x5b: {  	[spmem:s2] =	stream.linear.scatter @!p0 [tilespmem:s16], [sflag:$0x7], $0x400, $0x38;
	[tilespmem:$0x1B780] =	vst v63  }
0x5c: {  	_ =	swait.ge @!p0 [sflag:s12], $0x400  }
0x5d: {  	s2 =	sadd.s32 $0x4000, s2;
	[sflag:s12] =	ssyncset.done @!p0 $0x0  }
0x5e: {  	s6 =	sadd.s32 s6, s0  }
0x5f: {  	p1 =	sgt.u32 s6, $0x4E1  }
0x60: {  	[sflag:s12] =	ssyncadd.s32 @!p0 $0xFFFFFC00;
	s6 =	simm.s32 @!p1 $0x1B380;
	s7 =	simm.s32 @!p1 $0x7  }
0x61: {  	[spmem:s2] =	stream.linear.scatter @!p1 [tilespmem:s6], [sflag:$0x7], $0x400, $0x38;
	[tilespmem:$0x1B780] =	vst v63  }
0x62: {  	_ =	swait.ge @!p1 [sflag:s7], $0x400  }
0x63: {  	[sflag:s7] =	ssyncset.done @!p1 $0x0  }
0x64: {  	[sflag:s7] =	ssyncadd.s32 @!p1 $0xFFFFFC00  }
0x65: {  	s9 =	simm.s32 $0x13880;
	[bflag:$0x0] =	sbarrier.arrive $0xFFFF  }
0x66: {  	s12 =	simm.s32 $0x7;
	s2 =	simm.s32 $0x0;
	s7 =	rddreg [dreg:$0x5]  }
0x67: {  	[tilespmem:s9], [sflag:$0x7] =	stream.linear.gather [hbm4b:s7+s2], $0x100, $0x38;
	[tilespmem:$0x1B780] =	vst v63  }
0x68: {  	_ =	swait.ge [sflag:s12], $0x100  }
0x69: {  	[sflag:s12] =	ssyncset.done $0x0  }
0x6a: {  	[sflag:s12] =	ssyncadd.s32 $0xFFFFFF00  }
0x6b: {  	[tilespmem:s15], [sflag:$0x1] =	stream.indirect.gather [hbm4b:s1+s14], $0x80, s9, s14, $0xb8;
	[tilespmem:$0x1B780] =	vst v63  }
0x6c: {  	s13 =	simm.s32 $0x13900  }
0x6d: {  	[tilespmem:s17], [sflag:$0x1] =	stream.indirect.gather [hbm4b:s1+s14], $0x80, s13, s14, $0xb8;
	[tilespmem:$0x1B780] =	vst v63  }
0x6e: {  	s16 =	rddreg [dreg:$0x6]  }
0x6f: {  	[tilespmem:s18], [sflag:$0x4] =	stream.linear.gather [hbm4b:s16+s2], $0x100, $0x38;
	[tilespmem:$0x1B780] =	vst v63  }
0x70: {  	s16 =	simm.s32 $0x0  }
.LBB2_4:
0x71: {  	p1 =	seq.s32 s16, $0x0  }
0x72: {  	s6 =	simm.s32 @!p1 $0x5  }
0x73: {  	_ =	swait.ge @!p1 [sflag:s6], $0x1400  }
0x74: {  	[sflag:s6] =	ssyncset.done @!p1 $0x0  }
0x75: {  	[sflag:s6] =	ssyncadd.s32 @!p1 $0xFFFFEC00  }
0x76: {  	_ =	swait.ge [sflag:s19], $0x100  }
0x77: {  	[sflag:s19] =	ssyncset.done $0x0  }
0x78: {  	[sflag:s19] =	ssyncadd.s32 $0xFFFFFF00  }
0x79: {  	[tilespmem:s20], [sflag:$0x2] =	stream.indirect.gather [hbm4b:s1+s14], $0x80, s18, s14, $0xb8;
	[tilespmem:$0x1B780] =	vst v63  }
0x7a: {  	_ = 	snop  }
0x7b: {  	[tilespmem:s22], [sflag:$0x2] =	stream.indirect.gather [hbm4b:s1+s14], $0x80, s21, s14, $0xb8;
	[tilespmem:$0x1B780] =	vst v63  }
0x7c: {  	_ =	swait.ge [sflag:s23], $0x1400  }
0x7d: {  	[sflag:s23] =	ssyncset.done $0x0  }
0x7e: {  	[sflag:s23] =	ssyncadd.s32 $0xFFFFEC00  }
0x7f: {  	_ =	swait.ge [sflag:s23], $0x1400  }
0x80: {  	[sflag:s23] =	ssyncset.done $0x0  }
0x81: {  	[sflag:s23] =	ssyncadd.s32 $0xFFFFEC00  }
0x82: {  	v0 =	vld [tilespmem:$0x13900]  }
0x83: {  	v2 =	vmov s2;
	v1 =	vld [tilespmem:$0x13910]  }
0x84: {  	v2 =	vshll.u32 v2, $0x7;
	v3 =	vld [tilespmem:$0x13918]  }
0x85: {  	v2 =	vor.u32 v6, v2  }
0x86: {  	s12 =	sshll.u32 s16, $0x1;
	p0 =	seq.s32 s16, $0x7C;
	v32 =	vor.u32 v5, v2  }
0x87: {  	v18 =	vor.u32 v8, v2;
	s6 =	sadd.s32 @!p0 s5, s12;
	[tilespmem:$0x13A80] =	vst v0  }
0x88: {  	v21 =	vor.u32 v7, v2;
	s6 =	sshll.u32 @!p0 s6, $0x5;
	[tilespmem:$0x13A90] =	vst v1  }
0x89: {  	s7 =	simm.s32 @!p0 $0x0;
	s9 =	simm.s32 @!p0 $0x13880;
	s6 =	sadd.s32 @!p0 s6, s8;
	[tilespmem:$0x13A98] =	vst v3  }
0x8a: {  	[tilespmem:s9], [sflag:$0x3] =	stream.linear.gather @!p0 [hbm4b:s6+s7], $0x100, $0x38;
	[tilespmem:$0x1B780] =	vst v63  }
0x8b: {  	v20 =	vor.u32 v9, v2;
	v38 =	vld.idx.msk [tilespmem:v32+s17+$0x0], $0xffff  }
0x8c: {  	v22 =	vor.u32 v17, v2;
	v35 =	vld.idx.msk [tilespmem:v18+s15+$0x0], $0xffff  }
0x8d: {  	v36 =	vld.idx.msk [tilespmem:v21+s15+$0x0], $0xffff  }
0x8e: {  	v43 =	vld.idx.msk [tilespmem:v32+s15+$0x0], $0xffff  }
0x8f: {  	v34 =	vld.idx.msk [tilespmem:v21+s17+$0x0], $0xffff  }
0x90: {  	v23 =	vor.u32 v11, v2;
	v39 =	vld.idx.msk [tilespmem:v20+s17+$0x0], $0xffff  }
0x91: {  	v19 =	vor.u32 v13, v2;
	v50 =	vld.idx.msk [tilespmem:v22+s15+$0x0], $0xffff  }
0x92: {  	v25 =	vor.u32 v4, v2;
	v45 =	vld.idx.msk [tilespmem:v18+s17+$0x0], $0xffff  }
0x93: {  	v41 =	vld.idx.msk [tilespmem:v20+s15+$0x0], $0xffff  }
0x94: {  	v26 =	vor.u32 v10, v2;
	v53 =	vld.idx.msk [tilespmem:v22+s17+$0x0], $0xffff  }
0x95: {  	v49 =	vld.idx.msk [tilespmem:v23+s15+$0x0], $0xffff  }
0x96: {  	v37 =	vld.idx.msk [tilespmem:v19+s15+$0x0], $0xffff  }
0x97: {  	v28 =	vor.u32 v12, v2;
	v56 =	vld.idx.msk [tilespmem:v25+s17+$0x0], $0xffff  }
0x98: {  	v44 =	vld.idx.msk [tilespmem:v19+s17+$0x0], $0xffff  }
0x99: {  	v27 =	vor.u32 v15, v2;
	v52 =	vld.idx.msk [tilespmem:v26+s17+$0x0], $0xffff  }
0x9a: {  	v24 =	vor.u32 v24, v2;
	v51 =	vld.idx.msk [tilespmem:v26+s15+$0x0], $0xffff  }
0x9b: {  	v29 =	vor.u32 v14, v2;
	v62 =	vld.idx.msk [tilespmem:v23+s17+$0x0], $0xffff  }
0x9c: {  	v54 =	vld.idx.msk [tilespmem:v28+s15+$0x0], $0xffff  }
0x9d: {  	v0 =	vld.idx.msk [tilespmem:v25+s15+$0x0], $0xffff  }
0x9e: {  	v42 =	vld.idx.msk [tilespmem:v27+s15+$0x0], $0xffff  }
0x9f: {  	v40 =	vld.idx.msk [tilespmem:v24+s15+$0x0], $0xffff  }
0xa0: {  	v30 =	vor.u32 v30, v2;
	v57 =	vld.idx.msk [tilespmem:v29+s17+$0x0], $0xffff  }
0xa1: {  	v31 =	vor.u32 v31, v2;
	v47 =	vld.idx.msk [tilespmem:v24+s17+$0x0], $0xffff  }
0xa2: {  	v33 =	vor.u32 v16, v2;
	v63 =	vld.idx.msk [tilespmem:v28+s17+$0x0], $0xffff  }
0xa3: {  	v58 =	vld.idx.msk [tilespmem:v29+s15+$0x0], $0xffff  }
0xa4: {  	v59 =	vld.idx.msk [tilespmem:v27+s17+$0x0], $0xffff  }
0xa5: {  	v48 =	vld.idx.msk [tilespmem:v30+s15+$0x0], $0xffff  }
0xa6: {  	v46 =	vld.idx.msk [tilespmem:v31+s15+$0x0], $0xffff;
	v1 =	vmul.f32 v43, v38;
	v2 =	vmul.f32 v36, v34  }
0xa7: {  	v61 =	vld.idx.msk [tilespmem:v33+s17+$0x0], $0xffff;
	v3 =	vmul.f32 v35, v45;
	v4 =	vmul.f32 v41, v39  }
0xa8: {  	v55 =	vld.idx.msk [tilespmem:v31+s17+$0x0], $0xffff;
	v6 =	vadd.f32 $0.0e+00, v1;
	v1 =	vadd.f32 $0.0e+00, v2;
	v2 =	vmul.f32 v50, v53  }
0xa9: {  	v60 =	vld.idx.msk [tilespmem:v30+s17+$0x0], $0xffff;
	v5 =	vmul.f32 v0, v56;
	v9 =	vadd.f32 $0.0e+00, v3;
	v7 =	vadd.f32 $0.0e+00, v4  }
0xaa: {  	v3 =	vmul.f32 v49, v62;
	v8 =	vadd.f32 v2, v1;
	v2 =	vmul.f32 v51, v52;
	v1 =	vld.idx.msk [tilespmem:v33+s15+$0x0], $0xffff  }
0xab: {  	v4 =	vmul.f32 v37, v44;
	v9 =	vadd.f32 v5, v9;
	v5 =	vmul.f32 v58, v57  }
0xac: {  	v10 =	vadd.f32 v3, v7;
	v6 =	vadd.f32 v2, v6;
	v2 =	vmul.f32 v42, v59  }
0xad: {  	v3 =	vmul.f32 v54, v63;
	v7 =	vadd.f32 v4, v8;
	v8 =	vadd.f32 v5, v9  }
0xae: {  	v5 =	vmul.f32 v40, v47;
	v4 =	vmul.f32 v46, v55;
	v9 =	vadd.f32 v2, v10  }
0xaf: {  	v6 =	vadd.f32 v3, v6;
	v2 =	vmul.f32 v48, v60;
	v3 =	vmul.f32 v1, v61  }
0xb0: {  	v5 =	vadd.f32 v5, v7;
	v4 =	vadd.f32 v4, v9  }
0xb1: {  	v2 =	vadd.f32 v2, v8;
	v3 =	vadd.f32 v3, v6;
	_ =	sdelay $0x1  }
0xb2: {  	v2 =	vadd.f32 v4, v2;
	v3 =	vadd.f32 v5, v3;
	_ =	sdelay $0x1  }
0xb3: {  	v2 =	vadd.f32 v2, v3;
	_ =	sdelay $0x1  }
0xb4: {  	v2 =	vmax.f32 v2, $-9.999998800e-01  }
0xb5: {  	v2 =	vmin.f32 v2, $9.999998800e-01  }
0xb6: {  	v3 =	vand.u32 $0x7FFFFFFF, v2  }
0xb7: {  	v4 =	vsub.f32 $1.000000000e+00, v3  }
0xb8: {  	v5 =	vmul.f32 $-1.262491100e-03, v3  }
0xb9: {  	v8 =	vshra.s32 v4, $0x1;
	v6 =	vmul.f32 $5.000000000e-01, v4  }
0xba: {  	v7 =	vadd.f32 $6.670089900e-03, v5;
	v5 =	vsub.s32 $0x5F3759DF, v8  }
0xbb: {  	v9 =	vmul.f32 v5, v6;
	_ =	sdelay $0x1  }
0xbc: {  	v4 =	vadd.f32 $1.000000000e+00, v3;
	v9 =	vmul.f32 v5, v9  }
0xbd: {  	v8 =	vmul.f32 v7, v3  }
0xbe: {  	v10 =	vshra.s32 v4, $0x1;
	v9 =	vsub.f32 $1.500000000e+00, v9  }
0xbf: {  	v7 =	vmul.f32 $5.000000000e-01, v4;
	v4 =	vsub.s32 $0x5F3759DF, v10;
	v10 =	vadd.f32 $-1.708812640e-02, v8  }
0xc0: {  	[tilespmem:$0x1FF40] =	vst v9  }
0xc1: {  	v9 =	vmul.f32 v10, v3;
	v10 =	vld [tilespmem:$0x1FF40];
	_ =	sdelay $0x4  }
0xc2: {  	v5 =	vmul.f32 v5, v10  }
0xc3: {  	v8 =	vmul.f32 v4, v7  }
0xc4: {  	v10 =	vmul.f32 v5, v6  }
0xc5: {  	v8 =	vmul.f32 v4, v8;
	v9 =	vadd.f32 $3.089188040e-02, v9  }
0xc6: {  	v10 =	vmul.f32 v10, v5  }
0xc7: {  	v8 =	vsub.f32 $1.500000000e+00, v8;
	v9 =	vmul.f32 v9, v3  }
0xc8: {  	v10 =	vsub.f32 $1.500000000e+00, v10  }
0xc9: {  	v4 =	vmul.f32 v4, v8;
	v8 =	vadd.f32 $-5.017430340e-02, v9  }
0xca: {  	[tilespmem:$0x1FF50] =	vst v10  }
0xcb: {  	v10 =	vmul.f32 v8, v3;
	v8 =	vld [tilespmem:$0x1FF50];
	_ =	sdelay $0x2  }
0xcc: {  	v9 =	vmul.f32 v4, v7;
	_ =	sdelay $0x1  }
0xcd: {  	v8 =	vmul.f32 v8, v5;
	v5 =	vmul.f32 v9, v4  }
0xce: {  	v9 =	vadd.f32 $8.897899090e-02, v10  }
0xcf: {  	v5 =	vsub.f32 $1.500000000e+00, v5;
	v10 =	vmul.f32 v8, v6  }
0xd0: {  	v6 =	vmul.f32 v9, v3  }
0xd1: {  	v5 =	vmul.f32 v5, v4;
	v4 =	vmul.f32 v10, v8  }
0xd2: {  	v9 =	vadd.f32 $-2.145988050e-01, v6  }
0xd3: {  	v6 =	vmul.f32 v5, v7;
	v4 =	vsub.f32 $1.500000000e+00, v4  }
0xd4: {  	v7 =	vmul.f32 v9, v3  }
0xd5: {  	v8 =	vmul.f32 v4, v8;
	v4 =	vmul.f32 v6, v5;
	_ =	sdelay $0x1  }
0xd6: {  	v3 =	vsub.f32 $1.500000000e+00, v4;
	v4 =	vadd.f32 $1.570796250e+00, v7;
	v6 =	vmul.f32 $3.141592740e+00, v8;
	_ =	sdelay $0x1  }
0xd7: {  	s6 =	simm.s32 $0x2;
	vm0 =	vlt.f32 v2, $0.0e+00;
	v3 =	vmul.f32 v3, v5;
	v5 =	vsub.f32 v6, v4  }
.LBB2_5:
0xd8: {  	_ = 	snop  }
0xd9: {  	v4 =	vsel vm0, v5, v4  }
0xda: {  	v3 =	vmul.f32 v4, v3;
	_ =	sdelay $0x1  }
0xdb: {  	v2 =	vmul.f32 v3, v2;
	v4 =	vmul.f32 v3, v50  }
0xdc: {  	v5 =	vmul.f32 v3, v43;
	v0 =	vmul.f32 v3, v0  }
0xdd: {  	v36 =	vmul.f32 v3, v36;
	v37 =	vmul.f32 v3, v37  }
0xde: {  	v42 =	vmul.f32 v3, v42;
	v1 =	vmul.f32 v3, v1  }
0xdf: {  	v38 =	vmul.f32 v2, v38;
	v43 =	vmul.f32 v2, v53  }
0xe0: {  	v50 =	vmul.f32 v2, v56;
	v62 =	vmul.f32 v2, v62  }
0xe1: {  	v56 =	vmul.f32 v3, v49;
	v39 =	vmul.f32 v2, v39  }
0xe2: {  	v49 =	vmul.f32 v2, v63;
	v44 =	vmul.f32 v2, v44  }
0xe3: {  	v59 =	vmul.f32 v2, v59;
	v63 =	vmul.f32 v2, v61  }
0xe4: {  	v34 =	vmul.f32 v2, v34;
	v47 =	vmul.f32 v2, v47  }
0xe5: {  	v5 =	vsub.f32 v5, v38;
	v38 =	vmul.f32 v2, v45;
	v4 =	vsub.f32 v4, v43  }
0xe6: {  	v43 =	vmul.f32 v3, v54;
	v45 =	vsub.f32 v56, v62;
	v62 =	vmul.f32 v3, v58  }
0xe7: {  	v56 =	vmul.f32 v2, v60;
	v58 =	vmul.f32 v3, v48  }
0xe8: {  	[tilespmem:v32+s24+$0x0] =	vst.idx.msk $0xffff, v5;
	v5 =	vmul.f32 v3, v35;
	v32 =	vmul.f32 v2, v52  }
0xe9: {  	v34 =	vsub.f32 v36, v34;
	v35 =	vmul.f32 v3, v41;
	v41 =	vmul.f32 v3, v51  }
0xea: {  	v6 =	vld [tilespmem:$0x1FFA0];
	v51 =	vmul.f32 v2, v57;
	v57 =	vmul.f32 v3, v40;
	v5 =	vsub.f32 v5, v38  }
0xeb: {  	v2 =	vmul.f32 v2, v55;
	[tilespmem:v21+s24+$0x0] =	vst.idx.msk $0xffff, v34;
	v35 =	vsub.f32 v35, v39  }
0xec: {  	s7 =	smov.u32 s6;
	v3 =	vmul.f32 v3, v46;
	v21 =	vsub.f32 v41, v32;
	[tilespmem:v18+s24+$0x0] =	vst.idx.msk $0xffff, v5  }
0xed: {  	v18 =	vmov s7;
	[tilespmem:v20+s24+$0x0] =	vst.idx.msk $0xffff, v35  }
0xee: {  	v0 =	vsub.f32 v0, v50;
	v2 =	vsub.f32 v3, v2;
	v3 =	vshll.u32 v18, $0x7;
	[tilespmem:v26+s24+$0x0] =	vst.idx.msk $0xffff, v21  }
0xef: {  	v3 =	vor.u32 v6, v3;
	v6 =	vld [tilespmem:$0x1FF90];
	[tilespmem:v22+s24+$0x0] =	vst.idx.msk $0xffff, v4  }
0xf0: {  	v4 =	vsub.f32 v43, v49;
	[tilespmem:v25+s24+$0x0] =	vst.idx.msk $0xffff, v0  }
0xf1: {  	v0 =	vsub.f32 v37, v44;
	[tilespmem:v23+s24+$0x0] =	vst.idx.msk $0xffff, v45  }
0xf2: {  	v5 =	vsub.f32 v62, v51;
	[tilespmem:v28+s24+$0x0] =	vst.idx.msk $0xffff, v4  }
0xf3: {  	v4 =	vsub.f32 v42, v59;
	[tilespmem:v19+s24+$0x0] =	vst.idx.msk $0xffff, v0  }
0xf4: {  	v32 =	vor.u32 v6, v3;
	v6 =	vld [tilespmem:$0x1FFB0];
	[tilespmem:v29+s24+$0x0] =	vst.idx.msk $0xffff, v5  }
0xf5: {  	v0 =	vsub.f32 v1, v63;
	[tilespmem:v27+s24+$0x0] =	vst.idx.msk $0xffff, v4;
	v4 =	vld [tilespmem:$0x1FFC0]  }
0xf6: {  	v5 =	vsub.f32 v57, v47  }
0xf7: {  	v1 =	vsub.f32 v58, v56;
	[tilespmem:v33+s24+$0x0] =	vst.idx.msk $0xffff, v0  }
0xf8: {  	v22 =	vor.u32 v17, v3;
	v0 =	vld [tilespmem:$0x1FFE0];
	[tilespmem:v24+s24+$0x0] =	vst.idx.msk $0xffff, v5  }
0xf9: {  	v21 =	vor.u32 v6, v3;
	[tilespmem:v30+s24+$0x0] =	vst.idx.msk $0xffff, v1;
	v6 =	vld [tilespmem:$0x1FF60]  }
0xfa: {  	v23 =	vor.u32 v11, v3;
	[tilespmem:v31+s24+$0x0] =	vst.idx.msk $0xffff, v2;
	v18 =	vor.u32 v4, v3;
	v4 =	vld [tilespmem:$0x1FFD0]  }
0xfb: {  	v19 =	vor.u32 v13, v3;
	v38 =	vld.idx.msk [tilespmem:v32+s17+$0x0], $0xffff  }
0xfc: {  	v43 =	vld.idx.msk [tilespmem:v32+s15+$0x0], $0xffff  }
0xfd: {  	v50 =	vld.idx.msk [tilespmem:v22+s15+$0x0], $0xffff  }
0xfe: {  	v28 =	vor.u32 v12, v3;
	v53 =	vld.idx.msk [tilespmem:v22+s17+$0x0], $0xffff  }
0xff: {  	v27 =	vor.u32 v15, v3;
	v49 =	vld.idx.msk [tilespmem:v23+s15+$0x0], $0xffff  }
0x100: {  	v29 =	vor.u32 v14, v3;
	v37 =	vld.idx.msk [tilespmem:v19+s15+$0x0], $0xffff  }
0x101: {  	v44 =	vld.idx.msk [tilespmem:v19+s17+$0x0], $0xffff  }
0x102: {  	v62 =	vld.idx.msk [tilespmem:v23+s17+$0x0], $0xffff  }
0x103: {  	v54 =	vld.idx.msk [tilespmem:v28+s15+$0x0], $0xffff  }
0x104: {  	v33 =	vor.u32 v16, v3;
	v42 =	vld.idx.msk [tilespmem:v27+s15+$0x0], $0xffff  }
0x105: {  	v57 =	vld.idx.msk [tilespmem:v29+s17+$0x0], $0xffff  }
0x106: {  	v63 =	vld.idx.msk [tilespmem:v28+s17+$0x0], $0xffff  }
0x107: {  	v58 =	vld.idx.msk [tilespmem:v29+s15+$0x0], $0xffff  }
0x108: {  	v26 =	vor.u32 v0, v3;
	v0 =	vld [tilespmem:$0x1FFF0]  }
0x109: {  	v61 =	vld.idx.msk [tilespmem:v33+s17+$0x0], $0xffff  }
0x10a: {  	v36 =	vld.idx.msk [tilespmem:v21+s15+$0x0], $0xffff  }
0x10b: {  	v24 =	vor.u32 v6, v3;
	v6 =	vld [tilespmem:$0x1FF70]  }
0x10c: {  	v34 =	vld.idx.msk [tilespmem:v21+s17+$0x0], $0xffff;
	v20 =	vor.u32 v4, v3  }
0x10d: {  	v35 =	vld.idx.msk [tilespmem:v18+s15+$0x0], $0xffff  }
0x10e: {  	v45 =	vld.idx.msk [tilespmem:v18+s17+$0x0], $0xffff  }
0x10f: {  	v52 =	vld.idx.msk [tilespmem:v26+s17+$0x0], $0xffff  }
0x110: {  	v25 =	vor.u32 v0, v3;
	v30 =	vor.u32 v6, v3;
	v6 =	vld [tilespmem:$0x1FF80]  }
0x111: {  	v39 =	vld.idx.msk [tilespmem:v20+s17+$0x0], $0xffff  }
0x112: {  	v0 =	vmul.f32 v43, v38;
	v41 =	vld.idx.msk [tilespmem:v20+s15+$0x0], $0xffff  }
0x113: {  	v51 =	vld.idx.msk [tilespmem:v26+s15+$0x0], $0xffff  }
0x114: {  	v1 =	vmul.f32 v36, v34;
	v2 =	vadd.f32 $0.0e+00, v0;
	v40 =	vld.idx.msk [tilespmem:v24+s15+$0x0], $0xffff;
	v0 =	vmul.f32 v35, v45  }
0x115: {  	v56 =	vld.idx.msk [tilespmem:v25+s17+$0x0], $0xffff  }
0x116: {  	v5 =	vmul.f32 v50, v53;
	v1 =	vadd.f32 $0.0e+00, v1;
	v46 =	vadd.f32 $0.0e+00, v0;
	v0 =	vld.idx.msk [tilespmem:v25+s15+$0x0], $0xffff  }
0x117: {  	v47 =	vld.idx.msk [tilespmem:v24+s17+$0x0], $0xffff;
	v31 =	vor.u32 v6, v3;
	v4 =	vmul.f32 v41, v39  }
0x118: {  	v1 =	vadd.f32 v5, v1;
	v3 =	vmul.f32 v37, v44;
	v48 =	vld.idx.msk [tilespmem:v30+s15+$0x0], $0xffff  }
0x119: {  	v59 =	vmul.f32 v49, v62;
	v5 =	vmul.f32 v51, v52;
	v60 =	vld.idx.msk [tilespmem:v30+s17+$0x0], $0xffff;
	v4 =	vadd.f32 $0.0e+00, v4  }
0x11a: {  	v3 =	vadd.f32 v3, v1;
	v1 =	vld.idx.msk [tilespmem:v33+s15+$0x0], $0xffff  }
0x11b: {  	v2 =	vadd.f32 v5, v2;
	v5 =	vmul.f32 v0, v56;
	v4 =	vadd.f32 v59, v4;
	v59 =	vld.idx.msk [tilespmem:v27+s17+$0x0], $0xffff  }
0x11c: {  	v55 =	vld.idx.msk [tilespmem:v31+s17+$0x0], $0xffff  }
0x11d: {  	v7 =	vmul.f32 v58, v57;
	v5 =	vadd.f32 v5, v46;
	v46 =	vld.idx.msk [tilespmem:v31+s15+$0x0], $0xffff;
	_ =	sdelay $0x1  }
0x11e: {  	v6 =	vmul.f32 v54, v63;
	v5 =	vadd.f32 v7, v5;
	v7 =	vmul.f32 v40, v47  }
0x11f: {  	v8 =	vmul.f32 v42, v59  }
0x120: {  	v2 =	vadd.f32 v6, v2;
	v3 =	vadd.f32 v7, v3;
	v7 =	vmul.f32 v48, v60  }
0x121: {  	v6 =	vmul.f32 v46, v55;
	v4 =	vadd.f32 v8, v4;
	v8 =	vmul.f32 v1, v61  }
0x122: {  	v5 =	vadd.f32 v7, v5  }
0x123: {  	v4 =	vadd.f32 v6, v4;
	v2 =	vadd.f32 v8, v2;
	_ =	sdelay $0x1  }
0x124: {  	v4 =	vadd.f32 v4, v5;
	v2 =	vadd.f32 v3, v2;
	_ =	sdelay $0x1  }
0x125: {  	v2 =	vadd.f32 v4, v2;
	_ =	sdelay $0x1  }
0x126: {  	v2 =	vmax.f32 v2, $-9.999998800e-01  }
0x127: {  	v2 =	vmin.f32 v2, $9.999998800e-01  }
0x128: {  	v3 =	vand.u32 $0x7FFFFFFF, v2  }
0x129: {  	v4 =	vmul.f32 $-1.262491100e-03, v3;
	v6 =	vsub.f32 $1.000000000e+00, v3  }
0x12a: {  	v5 =	vadd.f32 $1.000000000e+00, v3  }
0x12b: {  	v4 =	vadd.f32 $6.670089900e-03, v4;
	v7 =	vshra.s32 v6, $0x1;
	v6 =	vmul.f32 $5.000000000e-01, v6  }
0x12c: {  	v8 =	vshra.s32 v5, $0x1;
	v5 =	vmul.f32 $5.000000000e-01, v5;
	v7 =	vsub.s32 $0x5F3759DF, v7  }
0x12d: {  	v8 =	vsub.s32 $0x5F3759DF, v8;
	v4 =	vmul.f32 v4, v3;
	v9 =	vmul.f32 v7, v6  }
0x12e: {  	v10 =	vmul.f32 v8, v5  }
0x12f: {  	v4 =	vadd.f32 $-1.708812640e-02, v4;
	v9 =	vmul.f32 v7, v9  }
0x130: {  	v10 =	vmul.f32 v8, v10  }
0x131: {  	v4 =	vmul.f32 v4, v3;
	v9 =	vsub.f32 $1.500000000e+00, v9  }
0x132: {  	v10 =	vsub.f32 $1.500000000e+00, v10  }
0x133: {  	v4 =	vadd.f32 $3.089188040e-02, v4;
	v7 =	vmul.f32 v7, v9  }
0x134: {  	v8 =	vmul.f32 v8, v10  }
0x135: {  	v4 =	vmul.f32 v4, v3;
	v9 =	vmul.f32 v7, v6  }
0x136: {  	v10 =	vmul.f32 v8, v5  }
0x137: {  	v4 =	vadd.f32 $-5.017430340e-02, v4;
	v9 =	vmul.f32 v9, v7  }
0x138: {  	v10 =	vmul.f32 v10, v8  }
0x139: {  	v4 =	vmul.f32 v4, v3;
	v9 =	vsub.f32 $1.500000000e+00, v9  }
0x13a: {  	v10 =	vsub.f32 $1.500000000e+00, v10  }
0x13b: {  	v4 =	vadd.f32 $8.897899090e-02, v4;
	v7 =	vmul.f32 v9, v7  }
0x13c: {  	v8 =	vmul.f32 v10, v8  }
0x13d: {  	v4 =	vmul.f32 v4, v3;
	v6 =	vmul.f32 v7, v6;
	_ =	sdelay $0x1  }
0x13e: {  	v5 =	vmul.f32 v8, v5;
	v4 =	vadd.f32 $-2.145988050e-01, v4;
	v6 =	vmul.f32 v6, v7;
	_ =	sdelay $0x1  }
0x13f: {  	v5 =	vmul.f32 v5, v8;
	v4 =	vmul.f32 v4, v3;
	v3 =	vsub.f32 $1.500000000e+00, v6  }
0x140: {  	p2 =	sne.s32 s6, $0x26  }
.Ltmp1:
0x141: {  	v5 =	vsub.f32 $1.500000000e+00, v5;
	v6 =	vmul.f32 v3, v7;
	(pc) =	sbr.rel @p2 .LBB2_5-.Ltmp1, $3  }
0x142: {  	_ = 	snop  }
0x143: {  	v3 =	vmul.f32 v5, v8;
	v4 =	vadd.f32 $1.570796250e+00, v4;
	v5 =	vmul.f32 $3.141592740e+00, v6;
	_ =	sdelay $0x1  }
0x144: {  	s6 =	sadd.s32 $0x2, s6;
	vm0 =	vlt.f32 v2, $0.0e+00;
	v5 =	vsub.f32 v5, v4  }
0x145: {  	_ = 	snop  }
0x146: {  	v4 =	vsel vm0, v5, v4  }
0x147: {  	v3 =	vmul.f32 v4, v3;
	_ =	sdelay $0x1  }
0x148: {  	v2 =	vmul.f32 v3, v2  }
0x149: {  	v4 =	vmul.f32 v3, v50;
	v5 =	vmul.f32 v3, v43  }
0x14a: {  	v0 =	vmul.f32 v3, v0;
	v50 =	vmul.f32 v3, v49  }
0x14b: {  	v36 =	vmul.f32 v3, v36;
	v41 =	vmul.f32 v3, v41  }
0x14c: {  	v1 =	vmul.f32 v3, v1;
	v6 =	vmul.f32 v2, v38  }
0x14d: {  	v7 =	vmul.f32 v2, v53;
	v8 =	vmul.f32 v2, v56  }
0x14e: {  	v9 =	vmul.f32 v2, v62;
	v10 =	vmul.f32 v2, v45  }
0x14f: {  	v39 =	vmul.f32 v2, v39;
	v52 =	vmul.f32 v2, v52  }
0x150: {  	v34 =	vmul.f32 v2, v34;
	v53 =	vmul.f32 v2, v63  }
0x151: {  	v56 =	vmul.f32 v2, v44;
	v5 =	vsub.f32 v5, v6;
	v6 =	vmul.f32 v3, v35  }
0x152: {  	v62 =	vmul.f32 v3, v54;
	v4 =	vsub.f32 v4, v7;
	v7 =	vsub.f32 v36, v34  }
0x153: {  	[tilespmem:v32+s24+$0x0] =	vst.idx.msk $0xffff, v5;
	v5 =	vmul.f32 v3, v51;
	v6 =	vsub.f32 v6, v10  }
0x154: {  	v0 =	vsub.f32 v0, v8;
	v8 =	vsub.f32 v41, v39;
	[tilespmem:v21+s24+$0x0] =	vst.idx.msk $0xffff, v7  }
0x155: {  	v63 =	vmul.f32 v2, v57;
	v5 =	vsub.f32 v5, v52;
	[tilespmem:v18+s24+$0x0] =	vst.idx.msk $0xffff, v6  }
0x156: {  	v9 =	vsub.f32 v50, v9;
	v10 =	vmul.f32 v2, v61;
	[tilespmem:v20+s24+$0x0] =	vst.idx.msk $0xffff, v8  }
0x157: {  	v7 =	vmul.f32 v3, v37;
	v6 =	vmul.f32 v2, v59;
	[tilespmem:v26+s24+$0x0] =	vst.idx.msk $0xffff, v5  }
0x158: {  	v18 =	vsub.f32 v62, v53;
	v1 =	vsub.f32 v1, v10;
	[tilespmem:v22+s24+$0x0] =	vst.idx.msk $0xffff, v4  }
0x159: {  	v8 =	vmul.f32 v3, v58;
	v7 =	vsub.f32 v7, v56;
	[tilespmem:v25+s24+$0x0] =	vst.idx.msk $0xffff, v0  }
0x15a: {  	v5 =	vmul.f32 v3, v42;
	v4 =	vmul.f32 v2, v47;
	[tilespmem:v23+s24+$0x0] =	vst.idx.msk $0xffff, v9  }
0x15b: {  	v8 =	vsub.f32 v8, v63;
	v0 =	vmul.f32 v2, v60;
	[tilespmem:v28+s24+$0x0] =	vst.idx.msk $0xffff, v18  }
0x15c: {  	v5 =	vsub.f32 v5, v6;
	v9 =	vmul.f32 v3, v40;
	[tilespmem:v19+s24+$0x0] =	vst.idx.msk $0xffff, v7  }
0x15d: {  	v2 =	vmul.f32 v2, v55;
	v18 =	vmul.f32 v3, v48;
	[tilespmem:v29+s24+$0x0] =	vst.idx.msk $0xffff, v8  }
0x15e: {  	v3 =	vmul.f32 v3, v46;
	v4 =	vsub.f32 v9, v4;
	[tilespmem:v27+s24+$0x0] =	vst.idx.msk $0xffff, v5  }
0x15f: {  	v0 =	vsub.f32 v18, v0;
	[tilespmem:v33+s24+$0x0] =	vst.idx.msk $0xffff, v1  }
0x160: {  	v1 =	vsub.f32 v3, v2;
	[tilespmem:v24+s24+$0x0] =	vst.idx.msk $0xffff, v4  }
0x161: {  	[tilespmem:v30+s24+$0x0] =	vst.idx.msk $0xffff, v0  }
0x162: {  	s6 =	simm.s32 @!p1 $0x6;
	[tilespmem:v31+s24+$0x0] =	vst.idx.msk $0xffff, v1  }
0x163: {  	[spmem:s3] =	stream.indirect.scatter.add.f32 [tilespmem:s24], [sflag:$0x5], $0x80, s25, s14, $0xb8;
	[tilespmem:$0x1B780] =	vst v63  }
0x164: {  	s7 =	sor.u32 $0x1, s12;
	_ =	swait.ge @!p1 [sflag:s6], $0x1400  }
0x165: {  	p2 =	sgt.u32 s7, $0xF8;
	[sflag:s6] =	ssyncset.done @!p1 $0x0  }
0x166: {  	[sflag:s6] =	ssyncadd.s32 @!p1 $0xFFFFEC00;
	s6 =	simm.s32 @!p2 $0x3  }
0x167: {  	_ =	swait.ge @!p2 [sflag:s6], $0x100  }
0x168: {  	s9 =	simm.s32 @!p2 $0x13880;
	[sflag:s6] =	ssyncset.done @!p2 $0x0  }
0x169: {  	s12 =	simm.s32 @!p2 $0x13B80;
	[sflag:s6] =	ssyncadd.s32 @!p2 $0xFFFFFF00;
	s6 =	simm.s32 @!p2 $0x28  }
0x16a: {  	[tilespmem:s12], [sflag:$0x1] =	stream.indirect.gather @!p2 [hbm4b:s1+s6], $0x80, s9, s6, $0xb8;
	[tilespmem:$0x1B780] =	vst v63  }
0x16b: {  	s9 =	simm.s32 @!p2 $0x13900;
	s12 =	simm.s32 @!p2 $0x16380  }
0x16c: {  	[tilespmem:s12], [sflag:$0x1] =	stream.indirect.gather @!p2 [hbm4b:s1+s6], $0x80, s9, s6, $0xb8;
	[tilespmem:$0x1B780] =	vst v63  }
0x16d: {  	_ =	swait.ge [sflag:s26], $0x1400  }
0x16e: {  	[sflag:s26] =	ssyncset.done $0x0  }
0x16f: {  	[sflag:s26] =	ssyncadd.s32 $0xFFFFEC00  }
0x170: {  	_ =	swait.ge [sflag:s26], $0x1400  }
0x171: {  	[sflag:s26] =	ssyncset.done $0x0;
	v4 =	vld [tilespmem:$0x1FFA0]  }
0x172: {  	[sflag:s26] =	ssyncadd.s32 $0xFFFFEC00  }
0x173: {  	s13 =	simm.s32 $0x0;
	v0 =	vld [tilespmem:$0x13A00]  }
0x174: {  	v2 =	vmov s13;
	v1 =	vld [tilespmem:$0x13A10]  }
0x175: {  	v2 =	vshll.u32 v2, $0x7;
	v3 =	vld [tilespmem:$0x13A18]  }
0x176: {  	v2 =	vor.u32 v4, v2  }
0x177: {  	v22 =	vor.u32 v17, v2  }
0x178: {  	s6 =	sadd.s32 @!p0 s5, s7;
	[tilespmem:$0x13B00] =	vst v0  }
0x179: {  	s6 =	sshll.u32 @!p0 s6, $0x5;
	v4 =	vld [tilespmem:$0x1FF90];
	v23 =	vor.u32 v11, v2;
	[tilespmem:$0x13B10] =	vst v1  }
0x17a: {  	s7 =	simm.s32 @!p0 $0x0;
	s9 =	simm.s32 @!p0 $0x13980;
	s6 =	sadd.s32 @!p0 s6, s8;
	v19 =	vor.u32 v13, v2;
	v0 =	vld [tilespmem:$0x1FFC0];
	[tilespmem:$0x13B18] =	vst v3  }
0x17b: {  	v1 =	vld [tilespmem:$0x1FF70];
	[tilespmem:s9], [sflag:$0x4] =	stream.linear.gather @!p0 [hbm4b:s6+s7], $0x100, $0x38  }
0x17c: {  	v50 =	vld.idx.msk [tilespmem:v22+s20+$0x0], $0xffff  }
0x17d: {  	v53 =	vld.idx.msk [tilespmem:v22+s22+$0x0], $0xffff  }
0x17e: {  	v28 =	vor.u32 v12, v2;
	v49 =	vld.idx.msk [tilespmem:v23+s20+$0x0], $0xffff  }
0x17f: {  	v27 =	vor.u32 v15, v2;
	v37 =	vld.idx.msk [tilespmem:v19+s20+$0x0], $0xffff  }
0x180: {  	v18 =	vor.u32 v0, v2;
	v0 =	vld [tilespmem:$0x1FFB0]  }
0x181: {  	v29 =	vor.u32 v14, v2;
	v44 =	vld.idx.msk [tilespmem:v19+s22+$0x0], $0xffff  }
0x182: {  	v62 =	vld.idx.msk [tilespmem:v23+s22+$0x0], $0xffff  }
0x183: {  	v54 =	vld.idx.msk [tilespmem:v28+s20+$0x0], $0xffff  }
0x184: {  	v42 =	vld.idx.msk [tilespmem:v27+s20+$0x0], $0xffff  }
0x185: {  	v21 =	vor.u32 v0, v2;
	v0 =	vld [tilespmem:$0x1FFD0]  }
0x186: {  	v33 =	vor.u32 v16, v2;
	v57 =	vld.idx.msk [tilespmem:v29+s22+$0x0], $0xffff  }
0x187: {  	v63 =	vld.idx.msk [tilespmem:v28+s22+$0x0], $0xffff  }
0x188: {  	v32 =	vor.u32 v4, v2;
	v58 =	vld.idx.msk [tilespmem:v29+s20+$0x0], $0xffff  }
0x189: {  	v59 =	vld.idx.msk [tilespmem:v27+s22+$0x0], $0xffff  }
0x18a: {  	v20 =	vor.u32 v0, v2;
	v0 =	vld [tilespmem:$0x1FFF0]  }
0x18b: {  	v61 =	vld.idx.msk [tilespmem:v33+s22+$0x0], $0xffff  }
0x18c: {  	v30 =	vor.u32 v1, v2;
	v1 =	vld [tilespmem:$0x1FF80]  }
0x18d: {  	v38 =	vld.idx.msk [tilespmem:v32+s22+$0x0], $0xffff  }
0x18e: {  	v43 =	vld.idx.msk [tilespmem:v32+s20+$0x0], $0xffff  }
0x18f: {  	v25 =	vor.u32 v0, v2;
	v0 =	vld [tilespmem:$0x1FFE0]  }
0x190: {  	v35 =	vld.idx.msk [tilespmem:v18+s20+$0x0], $0xffff  }
0x191: {  	v45 =	vld.idx.msk [tilespmem:v18+s22+$0x0], $0xffff  }
0x192: {  	v48 =	vld.idx.msk [tilespmem:v30+s20+$0x0], $0xffff  }
0x193: {  	v36 =	vld.idx.msk [tilespmem:v21+s20+$0x0], $0xffff  }
0x194: {  	v34 =	vld.idx.msk [tilespmem:v21+s22+$0x0], $0xffff;
	v26 =	vor.u32 v0, v2  }
0x195: {  	v0 =	vld [tilespmem:$0x1FF60]  }
0x196: {  	v39 =	vld.idx.msk [tilespmem:v20+s22+$0x0], $0xffff  }
0x197: {  	v41 =	vld.idx.msk [tilespmem:v20+s20+$0x0], $0xffff  }
0x198: {  	v31 =	vor.u32 v1, v2;
	v56 =	vld.idx.msk [tilespmem:v25+s22+$0x0], $0xffff  }
0x199: {  	v52 =	vld.idx.msk [tilespmem:v26+s22+$0x0], $0xffff  }
0x19a: {  	v1 =	vmul.f32 v43, v38;
	v24 =	vor.u32 v0, v2;
	v0 =	vld.idx.msk [tilespmem:v25+s20+$0x0], $0xffff  }
0x19b: {  	v51 =	vld.idx.msk [tilespmem:v26+s20+$0x0], $0xffff;
	v2 =	vmul.f32 v36, v34  }
0x19c: {  	v60 =	vld.idx.msk [tilespmem:v30+s22+$0x0], $0xffff;
	v3 =	vmul.f32 v35, v45;
	v5 =	vadd.f32 $0.0e+00, v1  }
0x19d: {  	v46 =	vld.idx.msk [tilespmem:v31+s20+$0x0], $0xffff;
	v4 =	vmul.f32 v41, v39;
	v1 =	vadd.f32 $0.0e+00, v2;
	v2 =	vmul.f32 v50, v53  }
0x19e: {  	v8 =	vmul.f32 v49, v62;
	v55 =	vld.idx.msk [tilespmem:v31+s22+$0x0], $0xffff;
	v3 =	vadd.f32 $0.0e+00, v3  }
0x19f: {  	v4 =	vadd.f32 $0.0e+00, v4;
	v2 =	vadd.f32 v2, v1;
	v1 =	vld.idx.msk [tilespmem:v33+s20+$0x0], $0xffff;
	v6 =	vmul.f32 v0, v56  }
0x1a0: {  	v40 =	vld.idx.msk [tilespmem:v24+s20+$0x0], $0xffff;
	v7 =	vmul.f32 v51, v52  }
0x1a1: {  	v4 =	vadd.f32 v8, v4;
	v47 =	vld.idx.msk [tilespmem:v24+s22+$0x0], $0xffff;
	v3 =	vadd.f32 v6, v3  }
0x1a2: {  	v6 =	vmul.f32 v58, v57;
	v5 =	vadd.f32 v7, v5;
	v7 =	vmul.f32 v42, v59  }
0x1a3: {  	v8 =	vmul.f32 v54, v63  }
0x1a4: {  	v9 =	vmul.f32 v37, v44;
	v3 =	vadd.f32 v6, v3;
	v4 =	vadd.f32 v7, v4  }
0x1a5: {  	v7 =	vmul.f32 v46, v55;
	v5 =	vadd.f32 v8, v5;
	v8 =	vmul.f32 v48, v60  }
0x1a6: {  	v2 =	vadd.f32 v9, v2;
	v9 =	vmul.f32 v1, v61;
	v6 =	vmul.f32 v40, v47  }
0x1a7: {  	v4 =	vadd.f32 v7, v4;
	v3 =	vadd.f32 v8, v3  }
0x1a8: {  	v5 =	vadd.f32 v9, v5;
	v2 =	vadd.f32 v6, v2;
	_ =	sdelay $0x1  }
0x1a9: {  	v3 =	vadd.f32 v4, v3;
	v2 =	vadd.f32 v2, v5;
	_ =	sdelay $0x1  }
0x1aa: {  	v2 =	vadd.f32 v3, v2;
	_ =	sdelay $0x1  }
0x1ab: {  	v2 =	vmax.f32 v2, $-9.999998800e-01  }
0x1ac: {  	v2 =	vmin.f32 v2, $9.999998800e-01  }
0x1ad: {  	v3 =	vand.u32 $0x7FFFFFFF, v2  }
0x1ae: {  	v4 =	vsub.f32 $1.000000000e+00, v3  }
0x1af: {  	v5 =	vmul.f32 $-1.262491100e-03, v3  }
0x1b0: {  	v6 =	vshra.s32 v4, $0x1;
	v4 =	vmul.f32 $5.000000000e-01, v4  }
0x1b1: {  	v5 =	vadd.f32 $6.670089900e-03, v5;
	v6 =	vsub.s32 $0x5F3759DF, v6  }
0x1b2: {  	v7 =	vadd.f32 $1.000000000e+00, v3;
	v8 =	vmul.f32 v6, v4  }
0x1b3: {  	v5 =	vmul.f32 v5, v3  }
0x1b4: {  	v9 =	vshra.s32 v7, $0x1;
	v7 =	vmul.f32 $5.000000000e-01, v7;
	v8 =	vmul.f32 v6, v8  }
0x1b5: {  	v9 =	vsub.s32 $0x5F3759DF, v9;
	v5 =	vadd.f32 $-1.708812640e-02, v5  }
0x1b6: {  	v10 =	vmul.f32 v9, v7;
	v8 =	vsub.f32 $1.500000000e+00, v8  }
0x1b7: {  	v5 =	vmul.f32 v5, v3  }
0x1b8: {  	v10 =	vmul.f32 v9, v10;
	v6 =	vmul.f32 v6, v8  }
0x1b9: {  	v5 =	vadd.f32 $3.089188040e-02, v5  }
0x1ba: {  	v8 =	vsub.f32 $1.500000000e+00, v10;
	v10 =	vmul.f32 v6, v4  }
0x1bb: {  	v5 =	vmul.f32 v5, v3  }
0x1bc: {  	v8 =	vmul.f32 v9, v8;
	v9 =	vmul.f32 v10, v6  }
0x1bd: {  	v5 =	vadd.f32 $-5.017430340e-02, v5  }
0x1be: {  	v10 =	vmul.f32 v8, v7;
	v9 =	vsub.f32 $1.500000000e+00, v9  }
0x1bf: {  	v5 =	vmul.f32 v5, v3  }
0x1c0: {  	v6 =	vmul.f32 v9, v6;
	v9 =	vmul.f32 v10, v8  }
0x1c1: {  	v5 =	vadd.f32 $8.897899090e-02, v5  }
0x1c2: {  	v9 =	vsub.f32 $1.500000000e+00, v9;
	v4 =	vmul.f32 v6, v4  }
0x1c3: {  	v5 =	vmul.f32 v5, v3  }
0x1c4: {  	v8 =	vmul.f32 v9, v8;
	v4 =	vmul.f32 v4, v6  }
0x1c5: {  	v5 =	vadd.f32 $-2.145988050e-01, v5  }
0x1c6: {  	v7 =	vmul.f32 v8, v7;
	v4 =	vsub.f32 $1.500000000e+00, v4  }
0x1c7: {  	v3 =	vmul.f32 v5, v3  }
0x1c8: {  	v5 =	vmul.f32 v4, v6;
	v4 =	vmul.f32 v7, v8;
	_ =	sdelay $0x1  }
0x1c9: {  	v6 =	vsub.f32 $1.500000000e+00, v4;
	v4 =	vadd.f32 $1.570796250e+00, v3;
	v5 =	vmul.f32 $3.141592740e+00, v5;
	_ =	sdelay $0x1  }
0x1ca: {  	s6 =	simm.s32 $0x2;
	vm0 =	vlt.f32 v2, $0.0e+00;
	v3 =	vmul.f32 v6, v8;
	v5 =	vsub.f32 v5, v4  }
.LBB2_7:
0x1cb: {  	_ = 	snop  }
0x1cc: {  	v4 =	vsel vm0, v5, v4  }
0x1cd: {  	v3 =	vmul.f32 v4, v3;
	_ =	sdelay $0x1  }
0x1ce: {  	v2 =	vmul.f32 v3, v2  }
0x1cf: {  	v4 =	vmul.f32 v3, v50;
	v5 =	vmul.f32 v3, v43  }
0x1d0: {  	v0 =	vmul.f32 v3, v0;
	v10 =	vmul.f32 v3, v49  }
0x1d1: {  	v36 =	vmul.f32 v3, v36;
	v50 =	vmul.f32 v3, v41  }
0x1d2: {  	v42 =	vmul.f32 v3, v42;
	v6 =	vmul.f32 v2, v38  }
0x1d3: {  	v1 =	vmul.f32 v3, v1;
	v7 =	vmul.f32 v2, v53  }
0x1d4: {  	v8 =	vmul.f32 v2, v56;
	v9 =	vmul.f32 v2, v62;
	v5 =	vsub.f32 v5, v6  }
0x1d5: {  	v62 =	vmul.f32 v2, v39;
	v34 =	vmul.f32 v2, v34  }
0x1d6: {  	v6 =	vmul.f32 v2, v45;
	[tilespmem:v32+s28+$0x0] =	vst.idx.msk $0xffff, v5;
	v5 =	vmul.f32 v3, v35  }
0x1d7: {  	v49 =	vmul.f32 v2, v52;
	v52 =	vmul.f32 v3, v51;
	v34 =	vsub.f32 v36, v34  }
0x1d8: {  	v53 =	vmul.f32 v2, v63;
	v56 =	vmul.f32 v2, v44;
	v5 =	vsub.f32 v5, v6  }
0x1d9: {  	v57 =	vmul.f32 v2, v57;
	v35 =	vsub.f32 v50, v62;
	[tilespmem:v21+s28+$0x0] =	vst.idx.msk $0xffff, v34  }
0x1da: {  	v61 =	vmul.f32 v2, v61;
	v21 =	vsub.f32 v52, v49;
	[tilespmem:v18+s28+$0x0] =	vst.idx.msk $0xffff, v5  }
0x1db: {  	v63 =	vmul.f32 v3, v48;
	v4 =	vsub.f32 v4, v7;
	[tilespmem:v20+s28+$0x0] =	vst.idx.msk $0xffff, v35  }
0x1dc: {  	v7 =	vmul.f32 v3, v54;
	v0 =	vsub.f32 v0, v8;
	[tilespmem:v26+s28+$0x0] =	vst.idx.msk $0xffff, v21  }
0x1dd: {  	v8 =	vmul.f32 v3, v37;
	v9 =	vsub.f32 v10, v9;
	[tilespmem:v22+s28+$0x0] =	vst.idx.msk $0xffff, v4  }
0x1de: {  	v10 =	vmul.f32 v3, v58;
	v4 =	vsub.f32 v7, v53;
	[tilespmem:v25+s28+$0x0] =	vst.idx.msk $0xffff, v0  }
0x1df: {  	v6 =	vmul.f32 v2, v60;
	v0 =	vsub.f32 v8, v56;
	[tilespmem:v23+s28+$0x0] =	vst.idx.msk $0xffff, v9  }
0x1e0: {  	v59 =	vmul.f32 v2, v59;
	v5 =	vsub.f32 v10, v57;
	[tilespmem:v28+s28+$0x0] =	vst.idx.msk $0xffff, v4  }
0x1e1: {  	[tilespmem:v19+s28+$0x0] =	vst.idx.msk $0xffff, v0;
	v0 =	vsub.f32 v1, v61;
	v1 =	vsub.f32 v63, v6;
	v6 =	vld [tilespmem:$0x1FFA0]  }
0x1e2: {  	v47 =	vmul.f32 v2, v47;
	v62 =	vmul.f32 v3, v40;
	v4 =	vsub.f32 v42, v59  }
0x1e3: {  	s7 =	smov.u32 s6;
	v3 =	vmul.f32 v3, v46;
	v2 =	vmul.f32 v2, v55;
	[tilespmem:v29+s28+$0x0] =	vst.idx.msk $0xffff, v5  }
0x1e4: {  	v7 =	vmov s7;
	[tilespmem:v27+s28+$0x0] =	vst.idx.msk $0xffff, v4;
	v4 =	vld [tilespmem:$0x1FFC0]  }
0x1e5: {  	v2 =	vsub.f32 v3, v2;
	v3 =	vshll.u32 v7, $0x7;
	[tilespmem:v33+s28+$0x0] =	vst.idx.msk $0xffff, v0;
	v0 =	vld [tilespmem:$0x1FFE0]  }
0x1e6: {  	v3 =	vor.u32 v6, v3;
	v6 =	vld [tilespmem:$0x1FF90]  }
0x1e7: {  	v7 =	vld [tilespmem:$0x1FF70];
	v5 =	vsub.f32 v62, v47;
	v22 =	vor.u32 v17, v3  }
0x1e8: {  	v8 =	vld [tilespmem:$0x1FF80]  }
0x1e9: {  	[tilespmem:v24+s28+$0x0] =	vst.idx.msk $0xffff, v5;
	v23 =	vor.u32 v11, v3;
	v18 =	vor.u32 v4, v3;
	v4 =	vld [tilespmem:$0x1FFD0]  }
0x1ea: {  	[tilespmem:v30+s28+$0x0] =	vst.idx.msk $0xffff, v1;
	v19 =	vor.u32 v13, v3;
	v26 =	vor.u32 v0, v3;
	v0 =	vld [tilespmem:$0x1FFF0]  }
0x1eb: {  	[tilespmem:v31+s28+$0x0] =	vst.idx.msk $0xffff, v2;
	v32 =	vor.u32 v6, v3;
	v6 =	vld [tilespmem:$0x1FFB0]  }
0x1ec: {  	v50 =	vld.idx.msk [tilespmem:v22+s20+$0x0], $0xffff  }
0x1ed: {  	v28 =	vor.u32 v12, v3;
	v53 =	vld.idx.msk [tilespmem:v22+s22+$0x0], $0xffff  }
0x1ee: {  	v27 =	vor.u32 v15, v3;
	v49 =	vld.idx.msk [tilespmem:v23+s20+$0x0], $0xffff  }
0x1ef: {  	v29 =	vor.u32 v14, v3;
	v37 =	vld.idx.msk [tilespmem:v19+s20+$0x0], $0xffff  }
0x1f0: {  	v44 =	vld.idx.msk [tilespmem:v19+s22+$0x0], $0xffff  }
0x1f1: {  	v62 =	vld.idx.msk [tilespmem:v23+s22+$0x0], $0xffff  }
0x1f2: {  	v54 =	vld.idx.msk [tilespmem:v28+s20+$0x0], $0xffff  }
0x1f3: {  	v30 =	vor.u32 v7, v3;
	v42 =	vld.idx.msk [tilespmem:v27+s20+$0x0], $0xffff  }
0x1f4: {  	v31 =	vor.u32 v8, v3;
	v57 =	vld.idx.msk [tilespmem:v29+s22+$0x0], $0xffff  }
0x1f5: {  	v63 =	vld.idx.msk [tilespmem:v28+s22+$0x0], $0xffff  }
0x1f6: {  	v58 =	vld.idx.msk [tilespmem:v29+s20+$0x0], $0xffff  }
0x1f7: {  	v59 =	vld.idx.msk [tilespmem:v27+s22+$0x0], $0xffff  }
0x1f8: {  	v48 =	vld.idx.msk [tilespmem:v30+s20+$0x0], $0xffff  }
0x1f9: {  	v46 =	vld.idx.msk [tilespmem:v31+s20+$0x0], $0xffff  }
0x1fa: {  	v35 =	vld.idx.msk [tilespmem:v18+s20+$0x0], $0xffff;
	v21 =	vor.u32 v6, v3  }
0x1fb: {  	v45 =	vld.idx.msk [tilespmem:v18+s22+$0x0], $0xffff  }
0x1fc: {  	v38 =	vld.idx.msk [tilespmem:v32+s22+$0x0], $0xffff  }
0x1fd: {  	v43 =	vld.idx.msk [tilespmem:v32+s20+$0x0], $0xffff  }
0x1fe: {  	v20 =	vor.u32 v4, v3;
	v6 =	vld [tilespmem:$0x1FF60]  }
0x1ff: {  	v36 =	vld.idx.msk [tilespmem:v21+s20+$0x0], $0xffff  }
0x200: {  	v25 =	vor.u32 v0, v3;
	v34 =	vld.idx.msk [tilespmem:v21+s22+$0x0], $0xffff  }
0x201: {  	v52 =	vld.idx.msk [tilespmem:v26+s22+$0x0], $0xffff  }
0x202: {  	v33 =	vor.u32 v16, v3;
	v51 =	vld.idx.msk [tilespmem:v26+s20+$0x0], $0xffff;
	v0 =	vmul.f32 v43, v38  }
0x203: {  	v39 =	vld.idx.msk [tilespmem:v20+s22+$0x0], $0xffff  }
0x204: {  	v41 =	vld.idx.msk [tilespmem:v20+s20+$0x0], $0xffff;
	v24 =	vor.u32 v6, v3;
	v2 =	vadd.f32 $0.0e+00, v0;
	v0 =	vmul.f32 v35, v45  }
0x205: {  	v56 =	vld.idx.msk [tilespmem:v25+s22+$0x0], $0xffff;
	v1 =	vmul.f32 v36, v34  }
0x206: {  	v6 =	vadd.f32 $0.0e+00, v0;
	v0 =	vld.idx.msk [tilespmem:v25+s20+$0x0], $0xffff  }
0x207: {  	v61 =	vld.idx.msk [tilespmem:v33+s22+$0x0], $0xffff;
	v5 =	vmul.f32 v50, v53;
	v1 =	vadd.f32 $0.0e+00, v1  }
0x208: {  	v55 =	vld.idx.msk [tilespmem:v31+s22+$0x0], $0xffff  }
0x209: {  	v4 =	vmul.f32 v41, v39;
	v40 =	vld.idx.msk [tilespmem:v24+s20+$0x0], $0xffff;
	v1 =	vadd.f32 v5, v1;
	v5 =	vmul.f32 v51, v52  }
0x20a: {  	v7 =	vmul.f32 v49, v62;
	v3 =	vmul.f32 v37, v44;
	v47 =	vld.idx.msk [tilespmem:v24+s22+$0x0], $0xffff  }
0x20b: {  	v60 =	vld.idx.msk [tilespmem:v30+s22+$0x0], $0xffff;
	v4 =	vadd.f32 $0.0e+00, v4;
	v2 =	vadd.f32 v5, v2;
	v5 =	vmul.f32 v0, v56  }
0x20c: {  	v3 =	vadd.f32 v3, v1;
	v1 =	vld.idx.msk [tilespmem:v33+s20+$0x0], $0xffff  }
0x20d: {  	v4 =	vadd.f32 v7, v4;
	v7 =	vmul.f32 v58, v57;
	v5 =	vadd.f32 v5, v6  }
0x20e: {  	v8 =	vmul.f32 v42, v59;
	v6 =	vmul.f32 v54, v63  }
0x20f: {  	v5 =	vadd.f32 v7, v5;
	v7 =	vmul.f32 v40, v47  }
0x210: {  	v4 =	vadd.f32 v8, v4;
	v2 =	vadd.f32 v6, v2;
	v6 =	vmul.f32 v46, v55  }
0x211: {  	v8 =	vmul.f32 v1, v61;
	v3 =	vadd.f32 v7, v3;
	v7 =	vmul.f32 v48, v60  }
0x212: {  	v4 =	vadd.f32 v6, v4  }
0x213: {  	v2 =	vadd.f32 v8, v2;
	v5 =	vadd.f32 v7, v5;
	_ =	sdelay $0x1  }
0x214: {  	v2 =	vadd.f32 v3, v2;
	v4 =	vadd.f32 v4, v5;
	_ =	sdelay $0x1  }
0x215: {  	v2 =	vadd.f32 v4, v2;
	_ =	sdelay $0x1  }
0x216: {  	v2 =	vmax.f32 v2, $-9.999998800e-01  }
0x217: {  	v2 =	vmin.f32 v2, $9.999998800e-01  }
0x218: {  	v3 =	vand.u32 $0x7FFFFFFF, v2  }
0x219: {  	v4 =	vmul.f32 $-1.262491100e-03, v3;
	v6 =	vsub.f32 $1.000000000e+00, v3  }
0x21a: {  	v5 =	vadd.f32 $1.000000000e+00, v3  }
0x21b: {  	v4 =	vadd.f32 $6.670089900e-03, v4;
	v7 =	vshra.s32 v6, $0x1;
	v6 =	vmul.f32 $5.000000000e-01, v6  }
0x21c: {  	v8 =	vshra.s32 v5, $0x1;
	v5 =	vmul.f32 $5.000000000e-01, v5;
	v7 =	vsub.s32 $0x5F3759DF, v7  }
0x21d: {  	v8 =	vsub.s32 $0x5F3759DF, v8;
	v4 =	vmul.f32 v4, v3;
	v9 =	vmul.f32 v7, v6  }
0x21e: {  	v10 =	vmul.f32 v8, v5  }
0x21f: {  	v4 =	vadd.f32 $-1.708812640e-02, v4;
	v9 =	vmul.f32 v7, v9  }
0x220: {  	v10 =	vmul.f32 v8, v10  }
0x221: {  	v4 =	vmul.f32 v4, v3;
	v9 =	vsub.f32 $1.500000000e+00, v9  }
0x222: {  	v10 =	vsub.f32 $1.500000000e+00, v10  }
0x223: {  	v4 =	vadd.f32 $3.089188040e-02, v4;
	v7 =	vmul.f32 v7, v9  }
0x224: {  	v8 =	vmul.f32 v8, v10  }
0x225: {  	v4 =	vmul.f32 v4, v3;
	v9 =	vmul.f32 v7, v6  }
0x226: {  	v10 =	vmul.f32 v8, v5  }
0x227: {  	v4 =	vadd.f32 $-5.017430340e-02, v4;
	v9 =	vmul.f32 v9, v7  }
0x228: {  	v10 =	vmul.f32 v10, v8  }
0x229: {  	v4 =	vmul.f32 v4, v3;
	v9 =	vsub.f32 $1.500000000e+00, v9  }
0x22a: {  	v10 =	vsub.f32 $1.500000000e+00, v10  }
0x22b: {  	v4 =	vadd.f32 $8.897899090e-02, v4;
	v7 =	vmul.f32 v9, v7  }
0x22c: {  	v8 =	vmul.f32 v10, v8  }
0x22d: {  	v4 =	vmul.f32 v4, v3;
	v6 =	vmul.f32 v7, v6;
	_ =	sdelay $0x1  }
0x22e: {  	v5 =	vmul.f32 v8, v5;
	v4 =	vadd.f32 $-2.145988050e-01, v4;
	v6 =	vmul.f32 v6, v7;
	_ =	sdelay $0x1  }
0x22f: {  	v5 =	vmul.f32 v5, v8;
	v4 =	vmul.f32 v4, v3;
	v3 =	vsub.f32 $1.500000000e+00, v6  }
0x230: {  	p0 =	sne.s32 s6, $0x26  }
.Ltmp2:
0x231: {  	v5 =	vsub.f32 $1.500000000e+00, v5;
	v6 =	vmul.f32 v3, v7;
	(pc) =	sbr.rel @p0 .LBB2_7-.Ltmp2, $3  }
0x232: {  	_ = 	snop  }
0x233: {  	v3 =	vmul.f32 v5, v8;
	v4 =	vadd.f32 $1.570796250e+00, v4;
	v5 =	vmul.f32 $3.141592740e+00, v6;
	_ =	sdelay $0x1  }
0x234: {  	s6 =	sadd.s32 $0x2, s6;
	vm0 =	vlt.f32 v2, $0.0e+00;
	v5 =	vsub.f32 v5, v4  }
0x235: {  	_ = 	snop  }
0x236: {  	v4 =	vsel vm0, v5, v4  }
0x237: {  	v3 =	vmul.f32 v4, v3;
	_ =	sdelay $0x1  }
0x238: {  	v2 =	vmul.f32 v3, v2;
	v4 =	vmul.f32 v3, v50  }
0x239: {  	v5 =	vmul.f32 v3, v43;
	v0 =	vmul.f32 v3, v0  }
0x23a: {  	v49 =	vmul.f32 v3, v49;
	v36 =	vmul.f32 v3, v36  }
0x23b: {  	v41 =	vmul.f32 v3, v41;
	v1 =	vmul.f32 v3, v1  }
0x23c: {  	v6 =	vmul.f32 v2, v38;
	v7 =	vmul.f32 v2, v53  }
0x23d: {  	v8 =	vmul.f32 v2, v56;
	v9 =	vmul.f32 v2, v62  }
0x23e: {  	v10 =	vmul.f32 v2, v45;
	v39 =	vmul.f32 v2, v39  }
0x23f: {  	v50 =	vmul.f32 v2, v52;
	v34 =	vmul.f32 v2, v34  }
0x240: {  	v52 =	vmul.f32 v2, v63;
	v53 =	vmul.f32 v2, v44  }
0x241: {  	v56 =	vmul.f32 v3, v54;
	v5 =	vsub.f32 v5, v6;
	v6 =	vmul.f32 v3, v35  }
0x242: {  	v57 =	vmul.f32 v2, v57;
	v4 =	vsub.f32 v4, v7;
	v7 =	vsub.f32 v36, v34  }
0x243: {  	[tilespmem:v32+s28+$0x0] =	vst.idx.msk $0xffff, v5;
	v5 =	vmul.f32 v3, v51;
	v6 =	vsub.f32 v6, v10  }
0x244: {  	v0 =	vsub.f32 v0, v8;
	v8 =	vsub.f32 v41, v39;
	[tilespmem:v21+s28+$0x0] =	vst.idx.msk $0xffff, v7  }
0x245: {  	v9 =	vsub.f32 v49, v9;
	v5 =	vsub.f32 v5, v50;
	[tilespmem:v18+s28+$0x0] =	vst.idx.msk $0xffff, v6  }
0x246: {  	v10 =	vmul.f32 v2, v61;
	v7 =	vmul.f32 v3, v37;
	[tilespmem:v20+s28+$0x0] =	vst.idx.msk $0xffff, v8  }
0x247: {  	v6 =	vmul.f32 v2, v59;
	v18 =	vsub.f32 v56, v52;
	[tilespmem:v26+s28+$0x0] =	vst.idx.msk $0xffff, v5  }
0x248: {  	v1 =	vsub.f32 v1, v10;
	v8 =	vmul.f32 v3, v58;
	[tilespmem:v22+s28+$0x0] =	vst.idx.msk $0xffff, v4  }
0x249: {  	v7 =	vsub.f32 v7, v53;
	v5 =	vmul.f32 v3, v42;
	[tilespmem:v25+s28+$0x0] =	vst.idx.msk $0xffff, v0  }
0x24a: {  	v10 =	vld [tilespmem:$0x1FFE0];
	v4 =	vmul.f32 v2, v47;
	v8 =	vsub.f32 v8, v57;
	[tilespmem:v23+s28+$0x0] =	vst.idx.msk $0xffff, v9  }
0x24b: {  	v5 =	vsub.f32 v5, v6;
	v6 =	vld [tilespmem:$0x1FFA0];
	v9 =	vmul.f32 v3, v40;
	[tilespmem:v28+s28+$0x0] =	vst.idx.msk $0xffff, v18  }
0x24c: {  	v62 =	vmul.f32 v2, v60;
	[tilespmem:v19+s28+$0x0] =	vst.idx.msk $0xffff, v7;
	v7 =	vld [tilespmem:$0x1FFB0]  }
0x24d: {  	s16 =	sadd.s32 $0x1, s16;
	v18 =	vmul.f32 v3, v48;
	v4 =	vsub.f32 v9, v4;
	v9 =	vld [tilespmem:$0x1FFD0];
	[tilespmem:v29+s28+$0x0] =	vst.idx.msk $0xffff, v8  }
0x24e: {  	p0 =	sne.s32 s16, $0x7D;
	v2 =	vmul.f32 v2, v55;
	v3 =	vmul.f32 v3, v46;
	v8 =	vld [tilespmem:$0x1FFC0];
	[tilespmem:v27+s28+$0x0] =	vst.idx.msk $0xffff, v5  }
.Ltmp3:
0x24f: {  	v0 =	vsub.f32 v18, v62;
	v5 =	vld [tilespmem:$0x1FF90];
	[tilespmem:v33+s28+$0x0] =	vst.idx.msk $0xffff, v1;
	(pc) =	sbr.rel @p0 .LBB2_4-.Ltmp3, $4  }
0x250: {  	v63 =	vsub.f32 v3, v2;
	[tilespmem:v24+s28+$0x0] =	vst.idx.msk $0xffff, v4;
	v4 =	vld [tilespmem:$0x1FFF0]  }
0x251: {  	v24 =	vld [tilespmem:$0x1FF60];
	[tilespmem:v30+s28+$0x0] =	vst.idx.msk $0xffff, v0  }
0x252: {  	v30 =	vld [tilespmem:$0x1FF70];
	[tilespmem:v31+s28+$0x0] =	vst.idx.msk $0xffff, v63  }
0x253: {  	v31 =	vld [tilespmem:$0x1FF80];
	[spmem:s3] =	stream.indirect.scatter.add.f32 [tilespmem:s28], [sflag:$0x6], $0x80, s29, s14, $0xb8  }
0x254: {  	_ =	swait.ge [sflag:s30], $0x1400  }
0x255: {  	[sflag:s30] =	ssyncset.done $0x0  }
0x256: {  	[sflag:s30] =	ssyncadd.s32 $0xFFFFEC00  }
0x257: {  	s2 =	sadd.s32 $0x0, s0;
	_ =	swait.ge [sflag:s31], $0x1400  }
0x258: {  	p0 =	sgt.u32 s2, $0x4E1;
	[sflag:s31] =	ssyncset.done $0x0  }
0x259: {  	s2 =	simm.s32 @!p0 $0x1B380;
	[sflag:s31] =	ssyncadd.s32 $0xFFFFEC00  }
0x25a: {  	s7 =	simm.s32 @!p0 $0x8;
	p0 =	por p0, p0;
	[bflag:$0x0] =	sbarrier.arrive $0xFFFF  }
0x25b: {  	[tilespmem:s2], [sflag:$0x8] =	stream.linear.gather @!p0 [spmem:s10], $0x400, $0x38;
	[tilespmem:$0x1B780] =	vst v63  }
0x25c: {  	_ =	swait.ge @!p0 [sflag:s7], $0x400  }
0x25d: {  	s16 =	sadd.s32 $0x10, s0;
	[sflag:s7] =	ssyncset.done @!p0 $0x0  }
0x25e: {  	s12 =	simm.s32 @!p0 $0x7;
	[sflag:s7] =	ssyncadd.s32 @!p0 $0xFFFFFC00;
	s7 =	simm.s32 @!p0 $0x0  }
0x25f: {  	[hbm4b:s11+s7] =	stream.linear.scatter @!p0 [tilespmem:s2], [sflag:$0x7], $0x400, $0x38;
	[tilespmem:$0x1B780] =	vst v63  }
0x260: {  	s6 =	simm.s32 $0x20;
	p1 =	sgt.u32 s16, $0x4E1;
	_ =	swait.ge @!p0 [sflag:s12], $0x400  }
0x261: {  	s2 =	sadd.s32 $0x800, s11;
	s7 =	sadd.s32 $0x4000, s10;
	[sflag:s12] =	ssyncset.done @!p0 $0x0  }
.LBB2_10:
0x262: {  	s9 =	simm.s32 @!p1 $0x1B380;
	s16 =	simm.s32 @!p1 $0x8;
	[sflag:s12] =	ssyncadd.s32 @!p0 $0xFFFFFC00  }
0x263: {  	s13 =	smov.u32 s6;
	p0 =	por p1, p1;
	s6 =	sadd.s32 $0x10, s6  }
0x264: {  	[tilespmem:s9], [sflag:$0x8] =	stream.linear.gather @!p0 [spmem:s7], $0x400, $0x38;
	[tilespmem:$0x1B780] =	vst v63  }
0x265: {  	p2 =	sne.s32 s6, $0x4F0;
	_ =	swait.ge @!p0 [sflag:s16], $0x400  }
.Ltmp4:
0x266: {  	[sflag:s16] =	ssyncset.done @!p0 $0x0;
	(pc) =	sbr.rel @p2 .LBB2_10-.Ltmp4, $4  }
0x267: {  	s12 =	simm.s32 @!p0 $0x7;
	[sflag:s16] =	ssyncadd.s32 @!p0 $0xFFFFFC00;
	s16 =	simm.s32 @!p0 $0x0  }
0x268: {  	[hbm4b:s2+s16] =	stream.linear.scatter @!p0 [tilespmem:s9], [sflag:$0x7], $0x400, $0x38;
	[tilespmem:$0x1B780] =	vst v63  }
0x269: {  	s9 =	sadd.s32 s13, s0;
	s2 =	sadd.s32 $0x800, s2;
	_ =	swait.ge @!p0 [sflag:s12], $0x400  }
0x26a: {  	s7 =	sadd.s32 $0x4000, s7;
	p1 =	sgt.u32 s9, $0x4E1;
	[sflag:s12] =	ssyncset.done @!p0 $0x0  }
0x26b: {  	s6 =	simm.s32 @!p1 $0x1B380  }
0x26c: {  	s9 =	simm.s32 @!p1 $0x8;
	[sflag:s12] =	ssyncadd.s32 @!p0 $0xFFFFFC00;
	p0 =	por p1, p1  }
0x26d: {  	[tilespmem:s6], [sflag:$0x8] =	stream.linear.gather @!p0 [spmem:s7], $0x400, $0x38;
	[tilespmem:$0x1B780] =	vst v63  }
0x26e: {  	_ =	swait.ge @!p0 [sflag:s9], $0x400  }
0x26f: {  	[sflag:s9] =	ssyncset.done @!p0 $0x0  }
0x270: {  	s7 =	simm.s32 @!p0 $0x0;
	[sflag:s9] =	ssyncadd.s32 @!p0 $0xFFFFFC00;
	s9 =	simm.s32 @!p0 $0x7  }
0x271: {  	[hbm4b:s2+s7] =	stream.linear.scatter @!p0 [tilespmem:s6], [sflag:$0x7], $0x400, $0x38;
	[tilespmem:$0x1B780] =	vst v63  }
0x272: {  	_ =	swait.ge @!p0 [sflag:s9], $0x400  }
0x273: {  	s4 =	sadd.s32 $0x1, s4;
	s16 =	rddreg [dreg:$0x7]  }
0x274: {  	p1 =	sne.s32 s4, s16  }
.Ltmp5:
0x275: {  	_ = 	snop;
	(pc) =	sbr.rel @p1 .LBB2_1-.Ltmp5, $3  }
0x276: {  	_ =	sdelay $0x1  }
0x277: {  	[sflag:s9] =	ssyncset.done @!p0 $0x0  }
0x278: {  	[sflag:s9] =	ssyncadd.s32 @!p0 $0xFFFFFC00  }
0x279: {  	_ =	sfence.sel $0x180000  }
0x27a: {  	[bflag:$0x0] =	sbarrier.arrive $0xFFFF  }
0x27b: {  	_ =	strace $0x90000047  }
0x27c: {  	[bflag:$0x2] =	sbarrier.arrive $0xFFFF  }
0x27d: {  	p0 =	sne.s32 s0, $0x0;
	s0 =	rddreg [dreg:$0x4]  }
0x27e: {  	s0 =	sadd.s32 @!p0 $0x100000, s0  }
0x27f: {  	[sflag:s0] =	ssyncadd.tile.s32 @!p0 $0x1;
	_ =	shalt  }
.Lfunc_end2:
_tile_overlayer_lowered:
.L_overlay_start_2:
0x280: {  	(tag) =	ssettag $0x2  }
0x281: {  	s0 =	rddreg [dreg:$0x0];
	s2 =	stileid.u32  }
0x282: {  	s1 =	rddreg [dreg:$0x1];
	p0 =	sne.s32 s2, $0x0  }
0x283: {  	s3 =	rddreg [dreg:$0x2];
	[bflag:$0x3] =	sbarrier.arrive $0xFFFF;
	s2 =	simm.s32 @!p0 $0x1C07  }
0x284: {  	[timem:s3], [sflag:s2] =	dma.local @!p0 [hbm:s0], s1  }
0x285: {  	s0 =	simm.s32 @!p0 $0x7  }
0x286: {  	_ =	swait.ge @!p0 [sflag:s0], s1  }
0x287: {  	s1 =	ssub.s32 @!p0 $0x0, s1;
	[sflag:s0] =	ssyncset.done @!p0 $0x0  }
0x288: {  	[sflag:s0] =	ssyncadd.s32 @!p0 s1  }
0x289: {  	[bflag:$0x3] =	sbarrier.arrive $0xFFFF  }
0x28a: {  	_ =	shalt  }

</sc_bundles>
